<compile_context>
chip_gen: v7x
topology: tpu7x:2x2x1
jax: 0.10.2.dev20260603
libtpu: 0.0.44.dev20260713+nightly
codegen_flags: <defaults>
</compile_context>

<pallas_src>
import functools

import jax
import jax.numpy as jnp
from jax import lax
from jax.experimental import pallas as pl
from jax.experimental.pallas import tpu as pltpu
from jax.experimental.pallas import tpu_sc as plsc

N = 100000
E = 1600000
NP = 100352
NC = 2
NS = 16
NW = NC * NS
RPT = NP // NS
ZR = 3136
C = 2000
C1 = 800
ZR1 = 784
EPW = E // NW
EPT = E // NS
BR = 7168
GRID = NP // BR

_mesh = plsc.VectorSubcoreMesh(core_axis_name="c", subcore_axis_name="s")
_sc_params = pltpu.CompilerParams(use_tc_tiling_on_sc=False,
                                  needs_layout_passes=False)


def _fill(ref, n, value):
    @pl.loop(0, n // 16)
    def _(j):
        ref[pl.ds(j * 16, 16)] = jnp.full((16,), value, jnp.float32)


@functools.partial(
    pl.kernel,
    out_type=jax.ShapeDtypeStruct((NC * NP,), jnp.float32),
    mesh=_mesh,
    scratch_types=[
        pltpu.VMEM((2, C), jnp.int32),
        pltpu.VMEM((C,), jnp.float32),
        pltpu.VMEM((ZR,), jnp.float32),
        pltpu.SemaphoreType.DMA,
        pltpu.VMEM_SHARED((NP,), jnp.float32),
    ],
    compiler_params=_sc_params,
)
def _sc_deg(ei_hbm, out_hbm, dst_v, ones_v, z_v, isem, acc):
    cid = lax.axis_index("c")
    sid = lax.axis_index("s")
    wid = sid * NC + cid
    nchunk = EPW // C
    _fill(ones_v, C, 1.0)
    _fill(z_v, ZR, 0.0)

    @pl.loop(0, RPT // ZR)
    def _(j):
        pltpu.sync_copy(z_v, acc.at[pl.ds(sid * RPT + j * ZR, ZR)])

    plsc.subcore_barrier()

    def _idx(k, b):
        off = wid * EPW + k * C
        return pltpu.async_copy(ei_hbm.at[1, pl.ds(off, C)],
                                dst_v.at[b], isem)

    _idx(0, 0)

    @pl.loop(0, nchunk)
    def _(k):
        b = lax.rem(k, 2)
        pltpu.make_async_copy(ei_hbm.at[1, pl.ds(0, C)],
                              dst_v.at[b], isem).wait()

        @pl.when(k + 1 < nchunk)
        def _():
            _idx(k + 1, 1 - b)

        pltpu.sync_copy(ones_v, acc.at[dst_v.at[b]], add=True)

    plsc.subcore_barrier()
    pltpu.sync_copy(acc.at[pl.ds(sid * RPT, RPT)],
                    out_hbm.at[pl.ds(cid * NP + sid * RPT, RPT)])


@functools.partial(
    pl.kernel,
    out_type=jax.ShapeDtypeStruct((NC * NP, 16), jnp.float32),
    mesh=_mesh,
    scratch_types=[
        pltpu.VMEM((2, C1), jnp.int32),
        pltpu.VMEM((2, C1), jnp.int32),
        pltpu.VMEM((2, C1, 16), jnp.float32),
        pltpu.SemaphoreType.DMA,
        pltpu.SemaphoreType.DMA,
        pltpu.VMEM_SHARED((NP, 16), jnp.float32),
    ],
    compiler_params=_sc_params,
)
def _sc_agg30(ei_hbm, ta_hbm, tb_hbm, out_hbm,
              src_v, dst_v, rows_v, gsem, isem, acc):
    cid = lax.axis_index("c")
    sid = lax.axis_index("s")
    nchunk = EPT // C1

    @pl.loop(0, ZR1)
    def _(j):
        rows_v[0, j, :] = jnp.zeros((16,), jnp.float32)

    @pl.loop(0, RPT // ZR1)
    def _(j):
        pltpu.sync_copy(rows_v.at[0, pl.ds(0, ZR1), :],
                        acc.at[pl.ds(sid * RPT + j * ZR1, ZR1), :])

    plsc.subcore_barrier()

    def _buf_prep(k, b):
        off = sid * EPT + k * C1
        pltpu.async_copy(ei_hbm.at[0, pl.ds(off, C1)], src_v.at[b], isem)
        pltpu.async_copy(ei_hbm.at[1, pl.ds(off, C1)], dst_v.at[b], isem)
        pltpu.make_async_copy(ei_hbm.at[0, pl.ds(0, C1)],
                              src_v.at[b], isem).wait()
        pltpu.make_async_copy(ei_hbm.at[1, pl.ds(0, C1)],
                              dst_v.at[b], isem).wait()

    H = C1 // 2

    def _gather_start(k, b):
        @pl.when(cid == 0)
        def _():
            pltpu.async_copy(ta_hbm.at[src_v.at[b, pl.ds(0, H)]],
                             rows_v.at[b, pl.ds(0, H), :], gsem)
            pltpu.async_copy(ta_hbm.at[src_v.at[b, pl.ds(H, H)]],
                             rows_v.at[b, pl.ds(H, H), :], gsem)

        @pl.when(cid == 1)
        def _():
            pltpu.async_copy(tb_hbm.at[src_v.at[b, pl.ds(0, H)]],
                             rows_v.at[b, pl.ds(0, H), :], gsem)
            pltpu.async_copy(tb_hbm.at[src_v.at[b, pl.ds(H, H)]],
                             rows_v.at[b, pl.ds(H, H), :], gsem)

    def _gather_wait(b):
        pltpu.make_async_copy(ta_hbm.at[src_v.at[b]], rows_v.at[b],
                              gsem).wait()

    _buf_prep(0, 0)
    _gather_start(0, 0)
    _buf_prep(1, 1)

    @pl.loop(0, nchunk)
    def _(k):
        b = lax.rem(k, 2)
        nb = 1 - b
        _gather_wait(b)

        @pl.when(k + 1 < nchunk)
        def _():
            _gather_start(k + 1, nb)

        pltpu.sync_copy(rows_v.at[b], acc.at[dst_v.at[b]], add=True)

        @pl.when(k + 2 < nchunk)
        def _():
            _buf_prep(k + 2, b)

    plsc.subcore_barrier()
    pltpu.sync_copy(acc.at[pl.ds(sid * RPT, RPT), :],
                    out_hbm.at[pl.ds(cid * NP + sid * RPT, RPT), :])


@functools.partial(
    pl.kernel,
    out_type=jax.ShapeDtypeStruct((NC * NP,), jnp.float32),
    mesh=_mesh,
    scratch_types=[
        pltpu.VMEM((2, C), jnp.int32),
        pltpu.VMEM((2, C), jnp.int32),
        pltpu.VMEM((C,), jnp.float32),
        pltpu.VMEM((NP,), jnp.float32),
        pltpu.VMEM((ZR,), jnp.float32),
        pltpu.SemaphoreType.DMA,
        pltpu.VMEM_SHARED((NP,), jnp.float32),
    ],
    compiler_params=_sc_params,
)
def _sc_agg1(ei_hbm, st_hbm, out_hbm,
             src_v, dst_v, vals_v, table_v, z_v, isem, acc):
    cid = lax.axis_index("c")
    sid = lax.axis_index("s")
    wid = sid * NC + cid
    nchunk = EPW // C
    pltpu.sync_copy(st_hbm.at[0], table_v)
    _fill(z_v, ZR, 0.0)

    @pl.loop(0, RPT // ZR)
    def _(j):
        pltpu.sync_copy(z_v, acc.at[pl.ds(sid * RPT + j * ZR, ZR)])

    plsc.subcore_barrier()

    def _idx(k, b):
        off = wid * EPW + k * C
        pltpu.async_copy(ei_hbm.at[0, pl.ds(off, C)], src_v.at[b], isem)
        pltpu.async_copy(ei_hbm.at[1, pl.ds(off, C)], dst_v.at[b], isem)

    def _idx_wait(b):
        pltpu.make_async_copy(ei_hbm.at[0, pl.ds(0, C)],
                              src_v.at[b], isem).wait()
        pltpu.make_async_copy(ei_hbm.at[1, pl.ds(0, C)],
                              dst_v.at[b], isem).wait()

    _idx(0, 0)

    @pl.loop(0, nchunk)
    def _(k):
        b = lax.rem(k, 2)
        _idx_wait(b)

        @pl.when(k + 1 < nchunk)
        def _():
            _idx(k + 1, 1 - b)

        @pl.loop(0, C // 16)
        def _(j):
            idx = src_v[b, pl.ds(j * 16, 16)]
            vals_v[pl.ds(j * 16, 16)] = plsc.load_gather(table_v, [idx])

        pltpu.sync_copy(vals_v, acc.at[dst_v.at[b]], add=True)

    plsc.subcore_barrier()
    pltpu.sync_copy(acc.at[pl.ds(sid * RPT, RPT)],
                    out_hbm.at[pl.ds(cid * NP + sid * RPT, RPT)])


def _tc1_body(x_ref, w1_ref, p0_ref, p1_ref, ta_ref, tb_ref, d_ref):
    deg = p0_ref[...] + p1_ref[...] + 1.0
    dis = lax.rsqrt(deg)
    h = jnp.dot(x_ref[...], w1_ref[...], preferred_element_type=jnp.float32)
    ht = h * dis[:, None]
    ta_ref[...] = ht[:, :16]
    tb_ref[...] = ht[:, 16:]
    d_ref[...] = dis


def _tc2_body(aa_ref, ab_ref, ta_ref, tb_ref, d_ref, b1a_ref,
              b1b_ref, w2a_ref, w2b_ref, st_ref):
    dd = d_ref[...][:, None]
    h1a = jax.nn.relu(dd * (aa_ref[...] + ta_ref[...]) + b1a_ref[...])
    h1b = jax.nn.relu(dd * (ab_ref[...] + tb_ref[...]) + b1b_ref[...])
    s = (jnp.dot(h1a, w2a_ref[...], preferred_element_type=jnp.float32)
         + jnp.dot(h1b, w2b_ref[...], preferred_element_type=jnp.float32))
    st_ref[...] = jnp.transpose(s, (1, 0)) * d_ref[...][None, :]


def _tc3_body(q0_ref, q1_ref, st_ref, d_ref, b2_ref, o_ref):
    z = (d_ref[...] * (q0_ref[...] + q1_ref[...] + st_ref[...][0])
         + b2_ref[0])
    o_ref[...] = jax.nn.sigmoid(z)


def _rows(width):
    return pl.BlockSpec((BR, width), lambda i: (i, 0))


def _rows2(width):
    return pl.BlockSpec((BR, width), lambda i: (i + GRID, 0))


def _flat():
    return pl.BlockSpec((BR,), lambda i: (i,))


def _flat2():
    return pl.BlockSpec((BR,), lambda i: (i + GRID,))


def _whole(shape):
    return pl.BlockSpec(shape, lambda i: (0,) * len(shape))


_tc1 = pl.pallas_call(
    _tc1_body,
    grid=(GRID,),
    in_specs=[_rows(32), _whole((32, 32)), _flat(), _flat2()],
    out_specs=[_rows(16), _rows(16), _flat()],
    out_shape=[
        jax.ShapeDtypeStruct((NP, 16), jnp.float32),
        jax.ShapeDtypeStruct((NP, 16), jnp.float32),
        jax.ShapeDtypeStruct((NP,), jnp.float32),
    ],
)

_tc2 = pl.pallas_call(
    _tc2_body,
    grid=(GRID,),
    in_specs=[_rows(16), _rows2(16), _rows(16), _rows(16),
              _flat(), _whole((1, 16)), _whole((1, 16)),
              _whole((16, 1)), _whole((16, 1))],
    out_specs=pl.BlockSpec((1, BR), lambda i: (0, i)),
    out_shape=jax.ShapeDtypeStruct((1, NP), jnp.float32),
)

_tc3 = pl.pallas_call(
    _tc3_body,
    grid=(GRID,),
    in_specs=[_flat(), _flat2(), pl.BlockSpec((1, BR), lambda i: (0, i)),
              _flat(), _whole((1,))],
    out_specs=_flat(),
    out_shape=jax.ShapeDtypeStruct((NP,), jnp.float32),
)


def kernel(x, edge_index, W1, b1, W2, b2):
    xp = jnp.pad(x, ((0, NP - N), (0, 0)))
    w1p = jnp.pad(W1, ((0, 0), (0, 2)))
    b1p = jnp.pad(b1, (0, 2)).reshape(1, 32)
    w2p = jnp.pad(W2[:, 0], (0, 2)).reshape(1, 32)

    degp = _sc_deg(edge_index)

    ta, tb, d = _tc1(xp, w1p, degp, degp)

    accf = _sc_agg30(edge_index, ta, tb)

    st = _tc2(accf, accf, ta, tb, d, b1p[:, :16], b1p[:, 16:],
              w2p[0, :16].reshape(16, 1), w2p[0, 16:].reshape(16, 1))

    acc2 = _sc_agg1(edge_index, st)

    out = _tc3(acc2, acc2, st, d, b2)
    return out[:N, None]

# --- scband reference (transcript-rebuilt; emitter-appended) ---
"""Pipeline reference for scband-gcn-20933670600928 (READ-ONLY COPY).

The authoritative reference and input builder live on the scoring server;
editing this copy changes nothing except your own understanding.
"""

import jax, jax.numpy as jnp
import numpy as np

N = 100000
E = 1600000
D_IN = 32
D_H = 30
D_OUT = 1


def gcn_conv(x, edge_index, W, b):
    n = x.shape[0]
    loop = jnp.arange(n, dtype=edge_index.dtype)
    src = jnp.concatenate([edge_index[0], loop])
    dst = jnp.concatenate([edge_index[1], loop])
    h = x @ W
    ones = jnp.ones(src.shape[0], dtype=h.dtype)
    deg = jax.ops.segment_sum(ones, dst, num_segments=n)
    deg_inv_sqrt = jnp.where(deg > 0, 1.0 / jnp.sqrt(deg), 0.0)
    norm = deg_inv_sqrt[src] * deg_inv_sqrt[dst]
    msg = h[src] * norm[:, None]
    out = jax.ops.segment_sum(msg, dst, num_segments=n)
    return out + b


def setup_inputs(seed: int = 0) -> dict:
    key = jax.random.key(seed)
    k1, k2, k3, k4, k5, k6 = jax.random.split(key, 6)
    x = jax.random.normal(k1, (N, D_IN), dtype=jnp.float32)
    edge_index = jax.random.randint(k2, (2, E), 0, N, dtype=jnp.int32)
    W1 = jax.random.normal(k3, (D_IN, D_H), dtype=jnp.float32) * (1.0 / np.sqrt(D_IN))
    b1 = jnp.zeros((D_H,), dtype=jnp.float32)
    W2 = jax.random.normal(k4, (D_H, D_OUT), dtype=jnp.float32) * (1.0 / np.sqrt(D_H))
    b2 = jnp.zeros((D_OUT,), dtype=jnp.float32)
    return {"x": x, "edge_index": edge_index, "W1": W1, "b1": b1, "W2": W2, "b2": b2}


def reference(x, edge_index, W1, b1, W2, b2):
    h = jax.nn.relu(gcn_conv(x, edge_index, W1, b1))
    h = gcn_conv(h, edge_index, W2, b2)
    return jax.nn.sigmoid(h)

if __name__ == "__main__":
    import jax
    _d = setup_inputs()
    print(jax.jit(kernel)(*tuple(_d.values())))

</pallas_src>

<mosaic_0001>
#map = affine_map<(d0, d1) -> (0, 0)>
#map1 = affine_map<(d0, d1) -> (0)>
module attributes {stable_mosaic.version = 14 : i64} {
  func.func @_sc_agg1(%arg0: i32, %arg1: i32, %arg2: memref<2x1600000xi32, #tpu.memory_space<hbm>>, %arg3: memref<1x100352xf32, #tpu.memory_space<hbm>>, %arg4: memref<200704xf32, #tpu.memory_space<hbm>>, %arg5: memref<2x2000xi32, #tpu.memory_space<vmem>>, %arg6: memref<2x2000xi32, #tpu.memory_space<vmem>>, %arg7: memref<2000xf32, #tpu.memory_space<vmem>>, %arg8: memref<100352xf32, #tpu.memory_space<vmem>>, %arg9: memref<3136xf32, #tpu.memory_space<vmem>>, %arg10: memref<!tpu.dma_semaphore, #tpu.memory_space<semaphore_mem>>, %arg11: memref<100352xf32, #tpu.memory_space<vmem_shared>>) attributes {dimension_semantics = [#tpu.dimension_semantics<core_parallel>, #tpu.dimension_semantics<subcore_parallel>], iteration_bounds = array<i64: 2, 16>, scalar_prefetch = 0 : i64, scratch_operands = 7 : i64, tpu.core_type = #tpu.core_type<sc_vector_subcore>, window_params = [{transform_indices = #map}, {transform_indices = #map}, {transform_indices = #map1}]} {
    %mul3A = arith.constant 2 : i32
    %mul3A_0 = arith.muli %arg1, %mul3A : i32
    %add3A = arith.addi %mul3A_0, %arg0 : i32
    %run_scoped3A = arith.constant 0 : i32
    "tpu.region"() ({
      %run_scoped3A_50 = tpu.sem_alloc : memref<!tpu.dma_semaphore, #tpu.memory_space<semaphore_mem>>
      %dma_start3A_51 = arith.constant 0 : i32
      %dma_start3A_52 = tpu.memref_slice %arg3[%run_scoped3A, %dma_start3A_51] : memref<1x100352xf32, #tpu.memory_space<hbm>> -> memref<1x100352xf32, #tpu.memory_space<hbm>>
      %dma_start3A_53 = tpu.memref_squeeze %dma_start3A_52 : memref<1x100352xf32, #tpu.memory_space<hbm>> -> memref<100352xf32, #tpu.memory_space<hbm>>
      %dma_start3A_54 = arith.constant 0 : i32
      %dma_start3A_55 = tpu.memref_slice %arg3[%run_scoped3A, %dma_start3A_54] : memref<1x100352xf32, #tpu.memory_space<hbm>> -> memref<1x100352xf32, #tpu.memory_space<hbm>>
      %dma_start3A_56 = tpu.memref_squeeze %dma_start3A_55 : memref<1x100352xf32, #tpu.memory_space<hbm>> -> memref<100352xf32, #tpu.memory_space<hbm>>
      tpu.enqueue_dma source(%dma_start3A_56 : memref<100352xf32, #tpu.memory_space<hbm>>) target(%arg8 : memref<100352xf32, #tpu.memory_space<vmem>>) target_semaphore(%run_scoped3A_50 : memref<!tpu.dma_semaphore, #tpu.memory_space<semaphore_mem>>)
      %dma_wait3A = arith.constant 0 : i32
      %dma_wait3A_57 = tpu.memref_slice %arg3[%run_scoped3A, %dma_wait3A] : memref<1x100352xf32, #tpu.memory_space<hbm>> -> memref<1x100352xf32, #tpu.memory_space<hbm>>
      %dma_wait3A_58 = tpu.memref_squeeze %dma_wait3A_57 : memref<1x100352xf32, #tpu.memory_space<hbm>> -> memref<100352xf32, #tpu.memory_space<hbm>>
      %dma_wait3A_59 = arith.constant 0 : i32
      %dma_wait3A_60 = tpu.memref_slice %arg3[%run_scoped3A, %dma_wait3A_59] : memref<1x100352xf32, #tpu.memory_space<hbm>> -> memref<1x100352xf32, #tpu.memory_space<hbm>>
      %dma_wait3A_61 = tpu.memref_squeeze %dma_wait3A_60 : memref<1x100352xf32, #tpu.memory_space<hbm>> -> memref<100352xf32, #tpu.memory_space<hbm>>
      tpu.wait_dma2 semaphore(%run_scoped3A_50 : memref<!tpu.dma_semaphore, #tpu.memory_space<semaphore_mem>>) src(%dma_wait3A_61 : memref<100352xf32, #tpu.memory_space<hbm>>) dst(%arg8 : memref<100352xf32, #tpu.memory_space<vmem>>)
      tpu.yield
    }) : () -> ()
    %scan3A = arith.constant 0 : i32
    %scan3A_1 = arith.constant 196 : i32
    %scan3A_2 = arith.addi %scan3A, %scan3A_1 : i32
    %scan3A_3 = arith.constant 1 : i32
    scf.for %scan3A_50 = %scan3A to %scan3A_2 step %scan3A_3  : i32 {
      %mul3A_51 = arith.constant 1 : i32
      %mul3A_52 = arith.muli %scan3A_50, %mul3A_51 : i32
      %add3A_53 = arith.constant 0 : i32
      %add3A_54 = arith.addi %add3A_53, %mul3A_52 : i32
      %broadcast_in_dim3A = arith.constant 0.000000e+00 : f32
      %broadcast_in_dim3A_55 = vector.broadcast %broadcast_in_dim3A : f32 to vector<16xf32>
      %mul3A_56 = arith.constant 16 : i32
      %mul3A_57 = arith.muli %add3A_54, %mul3A_56 : i32
      %swap3A = arith.index_cast %mul3A_57 : i32 to index
      %swap3A_58 = tpu.vector_load %arg9[%swap3A] {strides = array<i32>} : memref<3136xf32, #tpu.memory_space<vmem>>, vector<16xf32>,
      tpu.vector_store %arg9[%swap3A], %broadcast_in_dim3A_55 {strides = array<i32>} : memref<3136xf32, #tpu.memory_space<vmem>>, vector<16xf32>,
    }
    %scan3A_4 = arith.constant 196 : i32
    %scan3A_5 = arith.constant 0 : i32
    %scan3A_6 = arith.constant 2 : i32
    %scan3A_7 = arith.addi %scan3A_5, %scan3A_6 : i32
    %scan3A_8 = arith.constant 1 : i32
    scf.for %scan3A_50 = %scan3A_5 to %scan3A_7 step %scan3A_8  : i32 {
      %mul3A_51 = arith.constant 1 : i32
      %mul3A_52 = arith.muli %scan3A_50, %mul3A_51 : i32
      %add3A_53 = arith.constant 0 : i32
      %add3A_54 = arith.addi %add3A_53, %mul3A_52 : i32
      %mul3A_55 = arith.constant 6272 : i32
      %mul3A_56 = arith.muli %arg1, %mul3A_55 : i32
      %mul3A_57 = arith.constant 3136 : i32
      %mul3A_58 = arith.muli %add3A_54, %mul3A_57 : i32
      %add3A_59 = arith.addi %mul3A_56, %mul3A_58 : i32
      "tpu.region"() ({
        %run_scoped3A_60 = tpu.sem_alloc : memref<!tpu.dma_semaphore, #tpu.memory_space<semaphore_mem>>
        %dma_start3A_61 = tpu.memref_slice %arg11[%add3A_59] : memref<100352xf32, #tpu.memory_space<vmem_shared>> -> memref<3136xf32, #tpu.memory_space<vmem_shared>>
        %dma_start3A_62 = tpu.memref_slice %arg11[%add3A_59] : memref<100352xf32, #tpu.memory_space<vmem_shared>> -> memref<3136xf32, #tpu.memory_space<vmem_shared>>
        tpu.enqueue_dma source(%arg9 : memref<3136xf32, #tpu.memory_space<vmem>>) target(%dma_start3A_62 : memref<3136xf32, #tpu.memory_space<vmem_shared>>) target_semaphore(%run_scoped3A_60 : memref<!tpu.dma_semaphore, #tpu.memory_space<semaphore_mem>>)
        %dma_wait3A = tpu.memref_slice %arg11[%add3A_59] : memref<100352xf32, #tpu.memory_space<vmem_shared>> -> memref<3136xf32, #tpu.memory_space<vmem_shared>>
        %dma_wait3A_63 = tpu.memref_slice %arg11[%add3A_59] : memref<100352xf32, #tpu.memory_space<vmem_shared>> -> memref<3136xf32, #tpu.memory_space<vmem_shared>>
        tpu.wait_dma2 semaphore(%run_scoped3A_60 : memref<!tpu.dma_semaphore, #tpu.memory_space<semaphore_mem>>) src(%arg9 : memref<3136xf32, #tpu.memory_space<vmem>>) dst(%dma_wait3A_63 : memref<3136xf32, #tpu.memory_space<vmem_shared>>)
        tpu.yield
      }) : () -> ()
    }
    %scan3A_9 = arith.constant 2 : i32
    %barrier3A = arith.constant 0 : index
    tpu.barrier barrier_id(%barrier3A)
    %mul3A_10 = arith.constant 50000 : i32
    %mul3A_11 = arith.muli %add3A, %mul3A_10 : i32
    %add3A_12 = arith.constant 0 : i32
    %add3A_13 = arith.addi %mul3A_11, %add3A_12 : i32
    %dma_start3A = arith.constant 0 : i32
    %dma_start3A_14 = arith.constant 0 : i32
    %dma_start3A_15 = arith.constant 0 : i32
    %dma_start3A_16 = tpu.memref_slice %arg5[%dma_start3A_14, %dma_start3A_15] : memref<2x2000xi32, #tpu.memory_space<vmem>> -> memref<1x2000xi32, #tpu.memory_space<vmem>>
    %dma_start3A_17 = tpu.memref_squeeze %dma_start3A_16 : memref<1x2000xi32, #tpu.memory_space<vmem>> -> memref<2000xi32, #tpu.memory_space<vmem>>
    %dma_start3A_18 = tpu.memref_slice %arg2[%dma_start3A, %add3A_13] : memref<2x1600000xi32, #tpu.memory_space<hbm>> -> memref<1x2000xi32, #tpu.memory_space<hbm>>
    %dma_start3A_19 = tpu.memref_squeeze %dma_start3A_18 : memref<1x2000xi32, #tpu.memory_space<hbm>> -> memref<2000xi32, #tpu.memory_space<hbm>>
    %dma_start3A_20 = arith.constant 0 : i32
    %dma_start3A_21 = tpu.memref_slice %arg5[%dma_start3A_14, %dma_start3A_20] : memref<2x2000xi32, #tpu.memory_space<vmem>> -> memref<1x2000xi32, #tpu.memory_space<vmem>>
    %dma_start3A_22 = tpu.memref_squeeze %dma_start3A_21 : memref<1x2000xi32, #tpu.memory_space<vmem>> -> memref<2000xi32, #tpu.memory_space<vmem>>
    %dma_start3A_23 = tpu.memref_slice %arg2[%dma_start3A, %add3A_13] : memref<2x1600000xi32, #tpu.memory_space<hbm>> -> memref<1x2000xi32, #tpu.memory_space<hbm>>
    %dma_start3A_24 = tpu.memref_squeeze %dma_start3A_23 : memref<1x2000xi32, #tpu.memory_space<hbm>> -> memref<2000xi32, #tpu.memory_space<hbm>>
    tpu.enqueue_dma source(%dma_start3A_24 : memref<2000xi32, #tpu.memory_space<hbm>>) target(%dma_start3A_22 : memref<2000xi32, #tpu.memory_space<vmem>>) target_semaphore(%arg10 : memref<!tpu.dma_semaphore, #tpu.memory_space<semaphore_mem>>)
    %dma_start3A_25 = arith.constant 1 : i32
    %dma_start3A_26 = arith.constant 0 : i32
    %dma_start3A_27 = arith.constant 0 : i32
    %dma_start3A_28 = tpu.memref_slice %arg6[%dma_start3A_26, %dma_start3A_27] : memref<2x2000xi32, #tpu.memory_space<vmem>> -> memref<1x2000xi32, #tpu.memory_space<vmem>>
    %dma_start3A_29 = tpu.memref_squeeze %dma_start3A_28 : memref<1x2000xi32, #tpu.memory_space<vmem>> -> memref<2000xi32, #tpu.memory_space<vmem>>
    %dma_start3A_30 = tpu.memref_slice %arg2[%dma_start3A_25, %add3A_13] : memref<2x1600000xi32, #tpu.memory_space<hbm>> -> memref<1x2000xi32, #tpu.memory_space<hbm>>
    %dma_start3A_31 = tpu.memref_squeeze %dma_start3A_30 : memref<1x2000xi32, #tpu.memory_space<hbm>> -> memref<2000xi32, #tpu.memory_space<hbm>>
    %dma_start3A_32 = arith.constant 0 : i32
    %dma_start3A_33 = tpu.memref_slice %arg6[%dma_start3A_26, %dma_start3A_32] : memref<2x2000xi32, #tpu.memory_space<vmem>> -> memref<1x2000xi32, #tpu.memory_space<vmem>>
    %dma_start3A_34 = tpu.memref_squeeze %dma_start3A_33 : memref<1x2000xi32, #tpu.memory_space<vmem>> -> memref<2000xi32, #tpu.memory_space<vmem>>
    %dma_start3A_35 = tpu.memref_slice %arg2[%dma_start3A_25, %add3A_13] : memref<2x1600000xi32, #tpu.memory_space<hbm>> -> memref<1x2000xi32, #tpu.memory_space<hbm>>
    %dma_start3A_36 = tpu.memref_squeeze %dma_start3A_35 : memref<1x2000xi32, #tpu.memory_space<hbm>> -> memref<2000xi32, #tpu.memory_space<hbm>>
    tpu.enqueue_dma source(%dma_start3A_36 : memref<2000xi32, #tpu.memory_space<hbm>>) target(%dma_start3A_34 : memref<2000xi32, #tpu.memory_space<vmem>>) target_semaphore(%arg10 : memref<!tpu.dma_semaphore, #tpu.memory_space<semaphore_mem>>)
    %scan3A_37 = arith.constant 0 : i32
    %scan3A_38 = arith.constant 25 : i32
    %scan3A_39 = arith.addi %scan3A_37, %scan3A_38 : i32
    %scan3A_40 = arith.constant 1 : i32
    scf.for %scan3A_50 = %scan3A_37 to %scan3A_39 step %scan3A_40  : i32 {
      %mul3A_51 = arith.constant 1 : i32
      %mul3A_52 = arith.muli %scan3A_50, %mul3A_51 : i32
      %add3A_53 = arith.constant 0 : i32
      %add3A_54 = arith.addi %add3A_53, %mul3A_52 : i32
      %rem3A = arith.constant 2 : i32
      %rem3A_55 = arith.remsi %add3A_54, %rem3A : i32
      %dma_wait3A = arith.constant 0 : i32
      %dma_wait3A_56 = arith.constant 0 : i32
      %dma_wait3A_57 = tpu.memref_slice %arg5[%rem3A_55, %dma_wait3A_56] : memref<2x2000xi32, #tpu.memory_space<vmem>> -> memref<1x2000xi32, #tpu.memory_space<vmem>>
      %dma_wait3A_58 = tpu.memref_squeeze %dma_wait3A_57 : memref<1x2000xi32, #tpu.memory_space<vmem>> -> memref<2000xi32, #tpu.memory_space<vmem>>
      %dma_wait3A_59 = arith.constant 0 : i32
      %dma_wait3A_60 = tpu.memref_slice %arg2[%dma_wait3A, %dma_wait3A_59] : memref<2x1600000xi32, #tpu.memory_space<hbm>> -> memref<1x2000xi32, #tpu.memory_space<hbm>>
      %dma_wait3A_61 = tpu.memref_squeeze %dma_wait3A_60 : memref<1x2000xi32, #tpu.memory_space<hbm>> -> memref<2000xi32, #tpu.memory_space<hbm>>
      %dma_wait3A_62 = arith.constant 0 : i32
      %dma_wait3A_63 = tpu.memref_slice %arg5[%rem3A_55, %dma_wait3A_62] : memref<2x2000xi32, #tpu.memory_space<vmem>> -> memref<1x2000xi32, #tpu.memory_space<vmem>>
      %dma_wait3A_64 = tpu.memref_squeeze %dma_wait3A_63 : memref<1x2000xi32, #tpu.memory_space<vmem>> -> memref<2000xi32, #tpu.memory_space<vmem>>
      %dma_wait3A_65 = arith.constant 0 : i32
      %dma_wait3A_66 = tpu.memref_slice %arg2[%dma_wait3A, %dma_wait3A_65] : memref<2x1600000xi32, #tpu.memory_space<hbm>> -> memref<1x2000xi32, #tpu.memory_space<hbm>>
      %dma_wait3A_67 = tpu.memref_squeeze %dma_wait3A_66 : memref<1x2000xi32, #tpu.memory_space<hbm>> -> memref<2000xi32, #tpu.memory_space<hbm>>
      tpu.wait_dma2 semaphore(%arg10 : memref<!tpu.dma_semaphore, #tpu.memory_space<semaphore_mem>>) src(%dma_wait3A_67 : memref<2000xi32, #tpu.memory_space<hbm>>) dst(%dma_wait3A_64 : memref<2000xi32, #tpu.memory_space<vmem>>)
      %dma_wait3A_68 = arith.constant 1 : i32
      %dma_wait3A_69 = arith.constant 0 : i32
      %dma_wait3A_70 = tpu.memref_slice %arg6[%rem3A_55, %dma_wait3A_69] : memref<2x2000xi32, #tpu.memory_space<vmem>> -> memref<1x2000xi32, #tpu.memory_space<vmem>>
      %dma_wait3A_71 = tpu.memref_squeeze %dma_wait3A_70 : memref<1x2000xi32, #tpu.memory_space<vmem>> -> memref<2000xi32, #tpu.memory_space<vmem>>
      %dma_wait3A_72 = arith.constant 0 : i32
      %dma_wait3A_73 = tpu.memref_slice %arg2[%dma_wait3A_68, %dma_wait3A_72] : memref<2x1600000xi32, #tpu.memory_space<hbm>> -> memref<1x2000xi32, #tpu.memory_space<hbm>>
      %dma_wait3A_74 = tpu.memref_squeeze %dma_wait3A_73 : memref<1x2000xi32, #tpu.memory_space<hbm>> -> memref<2000xi32, #tpu.memory_space<hbm>>
      %dma_wait3A_75 = arith.constant 0 : i32
      %dma_wait3A_76 = tpu.memref_slice %arg6[%rem3A_55, %dma_wait3A_75] : memref<2x2000xi32, #tpu.memory_space<vmem>> -> memref<1x2000xi32, #tpu.memory_space<vmem>>
      %dma_wait3A_77 = tpu.memref_squeeze %dma_wait3A_76 : memref<1x2000xi32, #tpu.memory_space<vmem>> -> memref<2000xi32, #tpu.memory_space<vmem>>
      %dma_wait3A_78 = arith.constant 0 : i32
      %dma_wait3A_79 = tpu.memref_slice %arg2[%dma_wait3A_68, %dma_wait3A_78] : memref<2x1600000xi32, #tpu.memory_space<hbm>> -> memref<1x2000xi32, #tpu.memory_space<hbm>>
      %dma_wait3A_80 = tpu.memref_squeeze %dma_wait3A_79 : memref<1x2000xi32, #tpu.memory_space<hbm>> -> memref<2000xi32, #tpu.memory_space<hbm>>
      tpu.wait_dma2 semaphore(%arg10 : memref<!tpu.dma_semaphore, #tpu.memory_space<semaphore_mem>>) src(%dma_wait3A_80 : memref<2000xi32, #tpu.memory_space<hbm>>) dst(%dma_wait3A_77 : memref<2000xi32, #tpu.memory_space<vmem>>)
      %add3A_81 = arith.constant 1 : i32
      %add3A_82 = arith.addi %add3A_54, %add3A_81 : i32
      %lt3A = arith.constant 25 : i32
      %lt3A_83 = arith.cmpi slt, %add3A_82, %lt3A : i32
      %convert_element_type3A = arith.extui %lt3A_83 : i1 to i32
      %cond3A = arith.constant 0 : i32
      %cond3A_84 = arith.cmpi ne, %convert_element_type3A, %cond3A : i32
      scf.if %cond3A_84 {
        %add3A_90 = arith.constant 1 : i32
        %add3A_91 = arith.addi %add3A_54, %add3A_90 : i32
        %sub3A = arith.constant 1 : i32
        %sub3A_92 = arith.subi %sub3A, %rem3A_55 : i32
        %mul3A_93 = arith.constant 50000 : i32
        %mul3A_94 = arith.muli %add3A, %mul3A_93 : i32
        %mul3A_95 = arith.constant 2000 : i32
        %mul3A_96 = arith.muli %add3A_91, %mul3A_95 : i32
        %add3A_97 = arith.addi %mul3A_94, %mul3A_96 : i32
        %dma_start3A_98 = arith.constant 0 : i32
        %dma_start3A_99 = arith.constant 0 : i32
        %dma_start3A_100 = tpu.memref_slice %arg5[%sub3A_92, %dma_start3A_99] : memref<2x2000xi32, #tpu.memory_space<vmem>> -> memref<1x2000xi32, #tpu.memory_space<vmem>>
        %dma_start3A_101 = tpu.memref_squeeze %dma_start3A_100 : memref<1x2000xi32, #tpu.memory_space<vmem>> -> memref<2000xi32, #tpu.memory_space<vmem>>
        %dma_start3A_102 = tpu.memref_slice %arg2[%dma_start3A_98, %add3A_97] : memref<2x1600000xi32, #tpu.memory_space<hbm>> -> memref<1x2000xi32, #tpu.memory_space<hbm>>
        %dma_start3A_103 = tpu.memref_squeeze %dma_start3A_102 : memref<1x2000xi32, #tpu.memory_space<hbm>> -> memref<2000xi32, #tpu.memory_space<hbm>>
        %dma_start3A_104 = arith.constant 0 : i32
        %dma_start3A_105 = tpu.memref_slice %arg5[%sub3A_92, %dma_start3A_104] : memref<2x2000xi32, #tpu.memory_space<vmem>> -> memref<1x2000xi32, #tpu.memory_space<vmem>>
        %dma_start3A_106 = tpu.memref_squeeze %dma_start3A_105 : memref<1x2000xi32, #tpu.memory_space<vmem>> -> memref<2000xi32, #tpu.memory_space<vmem>>
        %dma_start3A_107 = tpu.memref_slice %arg2[%dma_start3A_98, %add3A_97] : memref<2x1600000xi32, #tpu.memory_space<hbm>> -> memref<1x2000xi32, #tpu.memory_space<hbm>>
        %dma_start3A_108 = tpu.memref_squeeze %dma_start3A_107 : memref<1x2000xi32, #tpu.memory_space<hbm>> -> memref<2000xi32, #tpu.memory_space<hbm>>
        tpu.enqueue_dma source(%dma_start3A_108 : memref<2000xi32, #tpu.memory_space<hbm>>) target(%dma_start3A_106 : memref<2000xi32, #tpu.memory_space<vmem>>) target_semaphore(%arg10 : memref<!tpu.dma_semaphore, #tpu.memory_space<semaphore_mem>>)
        %dma_start3A_109 = arith.constant 1 : i32
        %dma_start3A_110 = arith.constant 0 : i32
        %dma_start3A_111 = tpu.memref_slice %arg6[%sub3A_92, %dma_start3A_110] : memref<2x2000xi32, #tpu.memory_space<vmem>> -> memref<1x2000xi32, #tpu.memory_space<vmem>>
        %dma_start3A_112 = tpu.memref_squeeze %dma_start3A_111 : memref<1x2000xi32, #tpu.memory_space<vmem>> -> memref<2000xi32, #tpu.memory_space<vmem>>
        %dma_start3A_113 = tpu.memref_slice %arg2[%dma_start3A_109, %add3A_97] : memref<2x1600000xi32, #tpu.memory_space<hbm>> -> memref<1x2000xi32, #tpu.memory_space<hbm>>
        %dma_start3A_114 = tpu.memref_squeeze %dma_start3A_113 : memref<1x2000xi32, #tpu.memory_space<hbm>> -> memref<2000xi32, #tpu.memory_space<hbm>>
        %dma_start3A_115 = arith.constant 0 : i32
        %dma_start3A_116 = tpu.memref_slice %arg6[%sub3A_92, %dma_start3A_115] : memref<2x2000xi32, #tpu.memory_space<vmem>> -> memref<1x2000xi32, #tpu.memory_space<vmem>>
        %dma_start3A_117 = tpu.memref_squeeze %dma_start3A_116 : memref<1x2000xi32, #tpu.memory_space<vmem>> -> memref<2000xi32, #tpu.memory_space<vmem>>
        %dma_start3A_118 = tpu.memref_slice %arg2[%dma_start3A_109, %add3A_97] : memref<2x1600000xi32, #tpu.memory_space<hbm>> -> memref<1x2000xi32, #tpu.memory_space<hbm>>
        %dma_start3A_119 = tpu.memref_squeeze %dma_start3A_118 : memref<1x2000xi32, #tpu.memory_space<hbm>> -> memref<2000xi32, #tpu.memory_space<hbm>>
        tpu.enqueue_dma source(%dma_start3A_119 : memref<2000xi32, #tpu.memory_space<hbm>>) target(%dma_start3A_117 : memref<2000xi32, #tpu.memory_space<vmem>>) target_semaphore(%arg10 : memref<!tpu.dma_semaphore, #tpu.memory_space<semaphore_mem>>)
      } else {
      }
      %scan3A_85 = arith.constant 0 : i32
      %scan3A_86 = arith.constant 125 : i32
      %scan3A_87 = arith.addi %scan3A_85, %scan3A_86 : i32
      %scan3A_88 = arith.constant 1 : i32
      scf.for %scan3A_90 = %scan3A_85 to %scan3A_87 step %scan3A_88  : i32 {
        %mul3A_91 = arith.constant 1 : i32
        %mul3A_92 = arith.muli %scan3A_90, %mul3A_91 : i32
        %add3A_93 = arith.constant 0 : i32
        %add3A_94 = arith.addi %add3A_93, %mul3A_92 : i32
        %mul3A_95 = arith.constant 16 : i32
        %mul3A_96 = arith.muli %add3A_94, %mul3A_95 : i32
        %get3A = arith.index_cast %rem3A_55 : i32 to index
        %get3A_97 = arith.index_cast %mul3A_96 : i32 to index
        %get3A_98 = tpu.vector_load %arg5[%get3A, %get3A_97] {strides = array<i32>} : memref<2x2000xi32, #tpu.memory_space<vmem>>, vector<16xi32>,
        %gather3A = tpu.vector_load_idx %arg8[%get3A_98] : memref<100352xf32, #tpu.memory_space<vmem>>[vector<16xi32>], vector<16xf32>,
        %mul3A_99 = arith.constant 16 : i32
        %mul3A_100 = arith.muli %add3A_94, %mul3A_99 : i32
        %swap3A = arith.index_cast %mul3A_100 : i32 to index
        %swap3A_101 = tpu.vector_load %arg7[%swap3A] {strides = array<i32>} : memref<2000xf32, #tpu.memory_space<vmem>>, vector<16xf32>,
        tpu.vector_store %arg7[%swap3A], %gather3A {strides = array<i32>} : memref<2000xf32, #tpu.memory_space<vmem>>, vector<16xf32>,
      }
      %scan3A_89 = arith.constant 125 : i32
      "tpu.region"() ({
        %run_scoped3A_90 = tpu.sem_alloc : memref<!tpu.dma_semaphore, #tpu.memory_space<semaphore_mem>>
        %dma_start3A_91 = arith.constant 0 : i32
        %dma_start3A_92 = tpu.memref_slice %arg6[%rem3A_55, %dma_start3A_91] : memref<2x2000xi32, #tpu.memory_space<vmem>> -> memref<1x2000xi32, #tpu.memory_space<vmem>>
        %dma_start3A_93 = tpu.memref_squeeze %dma_start3A_92 : memref<1x2000xi32, #tpu.memory_space<vmem>> -> memref<2000xi32, #tpu.memory_space<vmem>>
        %dma_start3A_94 = arith.constant 0 : i32
        %dma_start3A_95 = tpu.memref_slice %arg11[%dma_start3A_94] : memref<100352xf32, #tpu.memory_space<vmem_shared>> -> memref<100352xf32, #tpu.memory_space<vmem_shared>>
        tpu.enqueue_indirect_dma source(%arg7 : memref<2000xf32, #tpu.memory_space<vmem>>) target(%dma_start3A_95 : memref<100352xf32, #tpu.memory_space<vmem_shared>>) offsets(%dma_start3A_93 : memref<2000xi32, #tpu.memory_space<vmem>>) semaphore(%run_scoped3A_90 : memref<!tpu.dma_semaphore, #tpu.memory_space<semaphore_mem>>) {add = true}
        %dma_wait3A_96 = arith.constant 0 : i32
        %dma_wait3A_97 = tpu.memref_slice %arg6[%rem3A_55, %dma_wait3A_96] : memref<2x2000xi32, #tpu.memory_space<vmem>> -> memref<1x2000xi32, #tpu.memory_space<vmem>>
        %dma_wait3A_98 = tpu.memref_squeeze %dma_wait3A_97 : memref<1x2000xi32, #tpu.memory_space<vmem>> -> memref<2000xi32, #tpu.memory_space<vmem>>
        %dma_wait3A_99 = arith.constant 0 : i32
        %dma_wait3A_100 = tpu.memref_slice %arg11[%dma_wait3A_99] : memref<100352xf32, #tpu.memory_space<vmem_shared>> -> memref<100352xf32, #tpu.memory_space<vmem_shared>>
        tpu.wait_indirect_dma semaphore(%run_scoped3A_90 : memref<!tpu.dma_semaphore, #tpu.memory_space<semaphore_mem>>) src(%arg7 : memref<2000xf32, #tpu.memory_space<vmem>>) dst(%dma_wait3A_100 : memref<100352xf32, #tpu.memory_space<vmem_shared>>)
        tpu.yield
      }) : () -> ()
    }
    %scan3A_41 = arith.constant 25 : i32
    %barrier3A_42 = arith.constant 0 : index
    tpu.barrier barrier_id(%barrier3A_42)
    %mul3A_43 = arith.constant 6272 : i32
    %mul3A_44 = arith.muli %arg1, %mul3A_43 : i32
    %mul3A_45 = arith.constant 100352 : i32
    %mul3A_46 = arith.muli %arg0, %mul3A_45 : i32
    %mul3A_47 = arith.constant 6272 : i32
    %mul3A_48 = arith.muli %arg1, %mul3A_47 : i32
    %add3A_49 = arith.addi %mul3A_46, %mul3A_48 : i32
    "tpu.region"() ({
      %run_scoped3A_50 = tpu.sem_alloc : memref<!tpu.dma_semaphore, #tpu.memory_space<semaphore_mem>>
      %dma_start3A_51 = tpu.memref_slice %arg4[%add3A_49] : memref<200704xf32, #tpu.memory_space<hbm>> -> memref<6272xf32, #tpu.memory_space<hbm>>
      %dma_start3A_52 = tpu.memref_slice %arg11[%mul3A_44] : memref<100352xf32, #tpu.memory_space<vmem_shared>> -> memref<6272xf32, #tpu.memory_space<vmem_shared>>
      tpu.enqueue_dma source(%dma_start3A_52 : memref<6272xf32, #tpu.memory_space<vmem_shared>>) target(%dma_start3A_51 : memref<6272xf32, #tpu.memory_space<hbm>>) target_semaphore(%run_scoped3A_50 : memref<!tpu.dma_semaphore, #tpu.memory_space<semaphore_mem>>)
      %dma_wait3A = tpu.memref_slice %arg4[%add3A_49] : memref<200704xf32, #tpu.memory_space<hbm>> -> memref<6272xf32, #tpu.memory_space<hbm>>
      %dma_wait3A_53 = tpu.memref_slice %arg11[%mul3A_44] : memref<100352xf32, #tpu.memory_space<vmem_shared>> -> memref<6272xf32, #tpu.memory_space<vmem_shared>>
      tpu.wait_dma2 semaphore(%run_scoped3A_50 : memref<!tpu.dma_semaphore, #tpu.memory_space<semaphore_mem>>) src(%dma_wait3A_53 : memref<6272xf32, #tpu.memory_space<vmem_shared>>) dst(%dma_wait3A : memref<6272xf32, #tpu.memory_space<hbm>>)
      tpu.yield
    }) : () -> ()
    return
  }
}

#map = affine_map<(d0, d1) -> (0, 0)>
module attributes {stable_mosaic.version = 14 : i64} {
  func.func @_sc_agg30(%arg0: i32, %arg1: i32, %arg2: memref<2x1600000xi32, #tpu.memory_space<hbm>>, %arg3: memref<100352x16xf32, #tpu.memory_space<hbm>>, %arg4: memref<100352x16xf32, #tpu.memory_space<hbm>>, %arg5: memref<200704x16xf32, #tpu.memory_space<hbm>>, %arg6: memref<2x800xi32, #tpu.memory_space<vmem>>, %arg7: memref<2x800xi32, #tpu.memory_space<vmem>>, %arg8: memref<2x800x16xf32, #tpu.memory_space<vmem>>, %arg9: memref<!tpu.dma_semaphore, #tpu.memory_space<semaphore_mem>>, %arg10: memref<!tpu.dma_semaphore, #tpu.memory_space<semaphore_mem>>, %arg11: memref<100352x16xf32, #tpu.memory_space<vmem_shared>>) attributes {dimension_semantics = [#tpu.dimension_semantics<core_parallel>, #tpu.dimension_semantics<subcore_parallel>], iteration_bounds = array<i64: 2, 16>, scalar_prefetch = 0 : i64, scratch_operands = 6 : i64, tpu.core_type = #tpu.core_type<sc_vector_subcore>, window_params = [{transform_indices = #map}, {transform_indices = #map}, {transform_indices = #map}, {transform_indices = #map}]} {
    %scan3A = arith.constant 0 : i32
    %scan3A_0 = arith.constant 784 : i32
    %scan3A_1 = arith.addi %scan3A, %scan3A_0 : i32
    %scan3A_2 = arith.constant 1 : i32
    scf.for %scan3A_137 = %scan3A to %scan3A_1 step %scan3A_2  : i32 {
      %mul3A_138 = arith.constant 1 : i32
      %mul3A_139 = arith.muli %scan3A_137, %mul3A_138 : i32
      %add3A_140 = arith.constant 0 : i32
      %add3A_141 = arith.addi %add3A_140, %mul3A_139 : i32
      %broadcast_in_dim3A = arith.constant 0.000000e+00 : f32
      %broadcast_in_dim3A_142 = vector.broadcast %broadcast_in_dim3A : f32 to vector<16xf32>
      %swap3A = arith.constant 0 : i32
      %swap3A_143 = arith.index_cast %swap3A : i32 to index
      %swap3A_144 = arith.index_cast %add3A_141 : i32 to index
      %swap3A_145 = arith.constant 0 : index
      %swap3A_146 = tpu.vector_load %arg8[%swap3A_143, %swap3A_144, %swap3A_145] {strides = array<i32>} : memref<2x800x16xf32, #tpu.memory_space<vmem>>, vector<16xf32>,
      tpu.vector_store %arg8[%swap3A_143, %swap3A_144, %swap3A_145], %broadcast_in_dim3A_142 {strides = array<i32>} : memref<2x800x16xf32, #tpu.memory_space<vmem>>, vector<16xf32>,
    }
    %scan3A_3 = arith.constant 784 : i32
    %scan3A_4 = arith.constant 0 : i32
    %scan3A_5 = arith.constant 8 : i32
    %scan3A_6 = arith.addi %scan3A_4, %scan3A_5 : i32
    %scan3A_7 = arith.constant 1 : i32
    scf.for %scan3A_137 = %scan3A_4 to %scan3A_6 step %scan3A_7  : i32 {
      %mul3A_138 = arith.constant 1 : i32
      %mul3A_139 = arith.muli %scan3A_137, %mul3A_138 : i32
      %add3A_140 = arith.constant 0 : i32
      %add3A_141 = arith.addi %add3A_140, %mul3A_139 : i32
      %mul3A_142 = arith.constant 6272 : i32
      %mul3A_143 = arith.muli %arg1, %mul3A_142 : i32
      %mul3A_144 = arith.constant 784 : i32
      %mul3A_145 = arith.muli %add3A_141, %mul3A_144 : i32
      %add3A_146 = arith.addi %mul3A_143, %mul3A_145 : i32
      %run_scoped3A = arith.constant 0 : i32
      "tpu.region"() ({
        %run_scoped3A_147 = tpu.sem_alloc : memref<!tpu.dma_semaphore, #tpu.memory_space<semaphore_mem>>
        %dma_start3A_148 = arith.constant 0 : i32
        %dma_start3A_149 = arith.constant 0 : i32
        %dma_start3A_150 = tpu.memref_slice %arg8[%run_scoped3A, %dma_start3A_148, %dma_start3A_149] : memref<2x800x16xf32, #tpu.memory_space<vmem>> -> memref<1x784x16xf32, #tpu.memory_space<vmem>>
        %dma_start3A_151 = tpu.memref_squeeze %dma_start3A_150 : memref<1x784x16xf32, #tpu.memory_space<vmem>> -> memref<784x16xf32, #tpu.memory_space<vmem>>
        %dma_start3A_152 = arith.constant 0 : i32
        %dma_start3A_153 = tpu.memref_slice %arg11[%add3A_146, %dma_start3A_152] : memref<100352x16xf32, #tpu.memory_space<vmem_shared>> -> memref<784x16xf32, #tpu.memory_space<vmem_shared>>
        %dma_start3A_154 = arith.constant 0 : i32
        %dma_start3A_155 = tpu.memref_slice %arg11[%add3A_146, %dma_start3A_154] : memref<100352x16xf32, #tpu.memory_space<vmem_shared>> -> memref<784x16xf32, #tpu.memory_space<vmem_shared>>
        %dma_start3A_156 = arith.constant 0 : i32
        %dma_start3A_157 = arith.constant 0 : i32
        %dma_start3A_158 = tpu.memref_slice %arg8[%run_scoped3A, %dma_start3A_156, %dma_start3A_157] : memref<2x800x16xf32, #tpu.memory_space<vmem>> -> memref<1x784x16xf32, #tpu.memory_space<vmem>>
        %dma_start3A_159 = tpu.memref_squeeze %dma_start3A_158 : memref<1x784x16xf32, #tpu.memory_space<vmem>> -> memref<784x16xf32, #tpu.memory_space<vmem>>
        tpu.enqueue_dma source(%dma_start3A_159 : memref<784x16xf32, #tpu.memory_space<vmem>>) target(%dma_start3A_155 : memref<784x16xf32, #tpu.memory_space<vmem_shared>>) target_semaphore(%run_scoped3A_147 : memref<!tpu.dma_semaphore, #tpu.memory_space<semaphore_mem>>)
        %dma_wait3A_160 = arith.constant 0 : i32
        %dma_wait3A_161 = arith.constant 0 : i32
        %dma_wait3A_162 = tpu.memref_slice %arg8[%run_scoped3A, %dma_wait3A_160, %dma_wait3A_161] : memref<2x800x16xf32, #tpu.memory_space<vmem>> -> memref<1x784x16xf32, #tpu.memory_space<vmem>>
        %dma_wait3A_163 = tpu.memref_squeeze %dma_wait3A_162 : memref<1x784x16xf32, #tpu.memory_space<vmem>> -> memref<784x16xf32, #tpu.memory_space<vmem>>
        %dma_wait3A_164 = arith.constant 0 : i32
        %dma_wait3A_165 = tpu.memref_slice %arg11[%add3A_146, %dma_wait3A_164] : memref<100352x16xf32, #tpu.memory_space<vmem_shared>> -> memref<784x16xf32, #tpu.memory_space<vmem_shared>>
        %dma_wait3A_166 = arith.constant 0 : i32
        %dma_wait3A_167 = tpu.memref_slice %arg11[%add3A_146, %dma_wait3A_166] : memref<100352x16xf32, #tpu.memory_space<vmem_shared>> -> memref<784x16xf32, #tpu.memory_space<vmem_shared>>
        %dma_wait3A_168 = arith.constant 0 : i32
        %dma_wait3A_169 = arith.constant 0 : i32
        %dma_wait3A_170 = tpu.memref_slice %arg8[%run_scoped3A, %dma_wait3A_168, %dma_wait3A_169] : memref<2x800x16xf32, #tpu.memory_space<vmem>> -> memref<1x784x16xf32, #tpu.memory_space<vmem>>
        %dma_wait3A_171 = tpu.memref_squeeze %dma_wait3A_170 : memref<1x784x16xf32, #tpu.memory_space<vmem>> -> memref<784x16xf32, #tpu.memory_space<vmem>>
        tpu.wait_dma2 semaphore(%run_scoped3A_147 : memref<!tpu.dma_semaphore, #tpu.memory_space<semaphore_mem>>) src(%dma_wait3A_171 : memref<784x16xf32, #tpu.memory_space<vmem>>) dst(%dma_wait3A_167 : memref<784x16xf32, #tpu.memory_space<vmem_shared>>)
        tpu.yield
      }) : () -> ()
    }
    %scan3A_8 = arith.constant 8 : i32
    %barrier3A = arith.constant 0 : index
    tpu.barrier barrier_id(%barrier3A)
    %mul3A = arith.constant 100000 : i32
    %mul3A_9 = arith.muli %arg1, %mul3A : i32
    %add3A = arith.constant 0 : i32
    %add3A_10 = arith.addi %mul3A_9, %add3A : i32
    %dma_start3A = arith.constant 0 : i32
    %dma_start3A_11 = arith.constant 0 : i32
    %dma_start3A_12 = arith.constant 0 : i32
    %dma_start3A_13 = tpu.memref_slice %arg6[%dma_start3A_11, %dma_start3A_12] : memref<2x800xi32, #tpu.memory_space<vmem>> -> memref<1x800xi32, #tpu.memory_space<vmem>>
    %dma_start3A_14 = tpu.memref_squeeze %dma_start3A_13 : memref<1x800xi32, #tpu.memory_space<vmem>> -> memref<800xi32, #tpu.memory_space<vmem>>
    %dma_start3A_15 = tpu.memref_slice %arg2[%dma_start3A, %add3A_10] : memref<2x1600000xi32, #tpu.memory_space<hbm>> -> memref<1x800xi32, #tpu.memory_space<hbm>>
    %dma_start3A_16 = tpu.memref_squeeze %dma_start3A_15 : memref<1x800xi32, #tpu.memory_space<hbm>> -> memref<800xi32, #tpu.memory_space<hbm>>
    %dma_start3A_17 = arith.constant 0 : i32
    %dma_start3A_18 = tpu.memref_slice %arg6[%dma_start3A_11, %dma_start3A_17] : memref<2x800xi32, #tpu.memory_space<vmem>> -> memref<1x800xi32, #tpu.memory_space<vmem>>
    %dma_start3A_19 = tpu.memref_squeeze %dma_start3A_18 : memref<1x800xi32, #tpu.memory_space<vmem>> -> memref<800xi32, #tpu.memory_space<vmem>>
    %dma_start3A_20 = tpu.memref_slice %arg2[%dma_start3A, %add3A_10] : memref<2x1600000xi32, #tpu.memory_space<hbm>> -> memref<1x800xi32, #tpu.memory_space<hbm>>
    %dma_start3A_21 = tpu.memref_squeeze %dma_start3A_20 : memref<1x800xi32, #tpu.memory_space<hbm>> -> memref<800xi32, #tpu.memory_space<hbm>>
    tpu.enqueue_dma source(%dma_start3A_21 : memref<800xi32, #tpu.memory_space<hbm>>) target(%dma_start3A_19 : memref<800xi32, #tpu.memory_space<vmem>>) target_semaphore(%arg10 : memref<!tpu.dma_semaphore, #tpu.memory_space<semaphore_mem>>)
    %dma_start3A_22 = arith.constant 1 : i32
    %dma_start3A_23 = arith.constant 0 : i32
    %dma_start3A_24 = arith.constant 0 : i32
    %dma_start3A_25 = tpu.memref_slice %arg7[%dma_start3A_23, %dma_start3A_24] : memref<2x800xi32, #tpu.memory_space<vmem>> -> memref<1x800xi32, #tpu.memory_space<vmem>>
    %dma_start3A_26 = tpu.memref_squeeze %dma_start3A_25 : memref<1x800xi32, #tpu.memory_space<vmem>> -> memref<800xi32, #tpu.memory_space<vmem>>
    %dma_start3A_27 = tpu.memref_slice %arg2[%dma_start3A_22, %add3A_10] : memref<2x1600000xi32, #tpu.memory_space<hbm>> -> memref<1x800xi32, #tpu.memory_space<hbm>>
    %dma_start3A_28 = tpu.memref_squeeze %dma_start3A_27 : memref<1x800xi32, #tpu.memory_space<hbm>> -> memref<800xi32, #tpu.memory_space<hbm>>
    %dma_start3A_29 = arith.constant 0 : i32
    %dma_start3A_30 = tpu.memref_slice %arg7[%dma_start3A_23, %dma_start3A_29] : memref<2x800xi32, #tpu.memory_space<vmem>> -> memref<1x800xi32, #tpu.memory_space<vmem>>
    %dma_start3A_31 = tpu.memref_squeeze %dma_start3A_30 : memref<1x800xi32, #tpu.memory_space<vmem>> -> memref<800xi32, #tpu.memory_space<vmem>>
    %dma_start3A_32 = tpu.memref_slice %arg2[%dma_start3A_22, %add3A_10] : memref<2x1600000xi32, #tpu.memory_space<hbm>> -> memref<1x800xi32, #tpu.memory_space<hbm>>
    %dma_start3A_33 = tpu.memref_squeeze %dma_start3A_32 : memref<1x800xi32, #tpu.memory_space<hbm>> -> memref<800xi32, #tpu.memory_space<hbm>>
    tpu.enqueue_dma source(%dma_start3A_33 : memref<800xi32, #tpu.memory_space<hbm>>) target(%dma_start3A_31 : memref<800xi32, #tpu.memory_space<vmem>>) target_semaphore(%arg10 : memref<!tpu.dma_semaphore, #tpu.memory_space<semaphore_mem>>)
    %dma_wait3A = arith.constant 0 : i32
    %dma_wait3A_34 = arith.constant 0 : i32
    %dma_wait3A_35 = arith.constant 0 : i32
    %dma_wait3A_36 = tpu.memref_slice %arg6[%dma_wait3A_34, %dma_wait3A_35] : memref<2x800xi32, #tpu.memory_space<vmem>> -> memref<1x800xi32, #tpu.memory_space<vmem>>
    %dma_wait3A_37 = tpu.memref_squeeze %dma_wait3A_36 : memref<1x800xi32, #tpu.memory_space<vmem>> -> memref<800xi32, #tpu.memory_space<vmem>>
    %dma_wait3A_38 = arith.constant 0 : i32
    %dma_wait3A_39 = tpu.memref_slice %arg2[%dma_wait3A, %dma_wait3A_38] : memref<2x1600000xi32, #tpu.memory_space<hbm>> -> memref<1x800xi32, #tpu.memory_space<hbm>>
    %dma_wait3A_40 = tpu.memref_squeeze %dma_wait3A_39 : memref<1x800xi32, #tpu.memory_space<hbm>> -> memref<800xi32, #tpu.memory_space<hbm>>
    %dma_wait3A_41 = arith.constant 0 : i32
    %dma_wait3A_42 = tpu.memref_slice %arg6[%dma_wait3A_34, %dma_wait3A_41] : memref<2x800xi32, #tpu.memory_space<vmem>> -> memref<1x800xi32, #tpu.memory_space<vmem>>
    %dma_wait3A_43 = tpu.memref_squeeze %dma_wait3A_42 : memref<1x800xi32, #tpu.memory_space<vmem>> -> memref<800xi32, #tpu.memory_space<vmem>>
    %dma_wait3A_44 = arith.constant 0 : i32
    %dma_wait3A_45 = tpu.memref_slice %arg2[%dma_wait3A, %dma_wait3A_44] : memref<2x1600000xi32, #tpu.memory_space<hbm>> -> memref<1x800xi32, #tpu.memory_space<hbm>>
    %dma_wait3A_46 = tpu.memref_squeeze %dma_wait3A_45 : memref<1x800xi32, #tpu.memory_space<hbm>> -> memref<800xi32, #tpu.memory_space<hbm>>
    tpu.wait_dma2 semaphore(%arg10 : memref<!tpu.dma_semaphore, #tpu.memory_space<semaphore_mem>>) src(%dma_wait3A_46 : memref<800xi32, #tpu.memory_space<hbm>>) dst(%dma_wait3A_43 : memref<800xi32, #tpu.memory_space<vmem>>)
    %dma_wait3A_47 = arith.constant 1 : i32
    %dma_wait3A_48 = arith.constant 0 : i32
    %dma_wait3A_49 = arith.constant 0 : i32
    %dma_wait3A_50 = tpu.memref_slice %arg7[%dma_wait3A_48, %dma_wait3A_49] : memref<2x800xi32, #tpu.memory_space<vmem>> -> memref<1x800xi32, #tpu.memory_space<vmem>>
    %dma_wait3A_51 = tpu.memref_squeeze %dma_wait3A_50 : memref<1x800xi32, #tpu.memory_space<vmem>> -> memref<800xi32, #tpu.memory_space<vmem>>
    %dma_wait3A_52 = arith.constant 0 : i32
    %dma_wait3A_53 = tpu.memref_slice %arg2[%dma_wait3A_47, %dma_wait3A_52] : memref<2x1600000xi32, #tpu.memory_space<hbm>> -> memref<1x800xi32, #tpu.memory_space<hbm>>
    %dma_wait3A_54 = tpu.memref_squeeze %dma_wait3A_53 : memref<1x800xi32, #tpu.memory_space<hbm>> -> memref<800xi32, #tpu.memory_space<hbm>>
    %dma_wait3A_55 = arith.constant 0 : i32
    %dma_wait3A_56 = tpu.memref_slice %arg7[%dma_wait3A_48, %dma_wait3A_55] : memref<2x800xi32, #tpu.memory_space<vmem>> -> memref<1x800xi32, #tpu.memory_space<vmem>>
    %dma_wait3A_57 = tpu.memref_squeeze %dma_wait3A_56 : memref<1x800xi32, #tpu.memory_space<vmem>> -> memref<800xi32, #tpu.memory_space<vmem>>
    %dma_wait3A_58 = arith.constant 0 : i32
    %dma_wait3A_59 = tpu.memref_slice %arg2[%dma_wait3A_47, %dma_wait3A_58] : memref<2x1600000xi32, #tpu.memory_space<hbm>> -> memref<1x800xi32, #tpu.memory_space<hbm>>
    %dma_wait3A_60 = tpu.memref_squeeze %dma_wait3A_59 : memref<1x800xi32, #tpu.memory_space<hbm>> -> memref<800xi32, #tpu.memory_space<hbm>>
    tpu.wait_dma2 semaphore(%arg10 : memref<!tpu.dma_semaphore, #tpu.memory_space<semaphore_mem>>) src(%dma_wait3A_60 : memref<800xi32, #tpu.memory_space<hbm>>) dst(%dma_wait3A_57 : memref<800xi32, #tpu.memory_space<vmem>>)
    %eq3A = arith.constant 0 : i32
    %eq3A_61 = arith.cmpi eq, %arg0, %eq3A : i32
    %convert_element_type3A = arith.extui %eq3A_61 : i1 to i32
    %cond3A = arith.constant 0 : i32
    %cond3A_62 = arith.cmpi ne, %convert_element_type3A, %cond3A : i32
    scf.if %cond3A_62 {
      %dma_start3A_137 = arith.constant 0 : i32
      %dma_start3A_138 = arith.constant 0 : i32
      %dma_start3A_139 = arith.constant 0 : i32
      %dma_start3A_140 = arith.constant 0 : i32
      %dma_start3A_141 = tpu.memref_slice %arg8[%dma_start3A_138, %dma_start3A_139, %dma_start3A_140] : memref<2x800x16xf32, #tpu.memory_space<vmem>> -> memref<1x400x16xf32, #tpu.memory_space<vmem>>
      %dma_start3A_142 = tpu.memref_squeeze %dma_start3A_141 : memref<1x400x16xf32, #tpu.memory_space<vmem>> -> memref<400x16xf32, #tpu.memory_space<vmem>>
      %dma_start3A_143 = arith.constant 0 : i32
      %dma_start3A_144 = tpu.memref_slice %arg6[%dma_start3A_137, %dma_start3A_143] : memref<2x800xi32, #tpu.memory_space<vmem>> -> memref<1x400xi32, #tpu.memory_space<vmem>>
      %dma_start3A_145 = tpu.memref_squeeze %dma_start3A_144 : memref<1x400xi32, #tpu.memory_space<vmem>> -> memref<400xi32, #tpu.memory_space<vmem>>
      %dma_start3A_146 = arith.constant 0 : i32
      %dma_start3A_147 = arith.constant 0 : i32
      %dma_start3A_148 = tpu.memref_slice %arg3[%dma_start3A_146, %dma_start3A_147] : memref<100352x16xf32, #tpu.memory_space<hbm>> -> memref<100352x16xf32, #tpu.memory_space<hbm>>
      tpu.enqueue_indirect_dma source(%dma_start3A_148 : memref<100352x16xf32, #tpu.memory_space<hbm>>) target(%dma_start3A_142 : memref<400x16xf32, #tpu.memory_space<vmem>>) offsets(%dma_start3A_145 : memref<400xi32, #tpu.memory_space<vmem>>) semaphore(%arg9 : memref<!tpu.dma_semaphore, #tpu.memory_space<semaphore_mem>>)
      %dma_start3A_149 = arith.constant 0 : i32
      %dma_start3A_150 = arith.constant 0 : i32
      %dma_start3A_151 = arith.constant 400 : i32
      %dma_start3A_152 = arith.constant 0 : i32
      %dma_start3A_153 = tpu.memref_slice %arg8[%dma_start3A_150, %dma_start3A_151, %dma_start3A_152] : memref<2x800x16xf32, #tpu.memory_space<vmem>> -> memref<1x400x16xf32, #tpu.memory_space<vmem>>
      %dma_start3A_154 = tpu.memref_squeeze %dma_start3A_153 : memref<1x400x16xf32, #tpu.memory_space<vmem>> -> memref<400x16xf32, #tpu.memory_space<vmem>>
      %dma_start3A_155 = arith.constant 400 : i32
      %dma_start3A_156 = tpu.memref_slice %arg6[%dma_start3A_149, %dma_start3A_155] : memref<2x800xi32, #tpu.memory_space<vmem>> -> memref<1x400xi32, #tpu.memory_space<vmem>>
      %dma_start3A_157 = tpu.memref_squeeze %dma_start3A_156 : memref<1x400xi32, #tpu.memory_space<vmem>> -> memref<400xi32, #tpu.memory_space<vmem>>
      %dma_start3A_158 = arith.constant 0 : i32
      %dma_start3A_159 = arith.constant 0 : i32
      %dma_start3A_160 = tpu.memref_slice %arg3[%dma_start3A_158, %dma_start3A_159] : memref<100352x16xf32, #tpu.memory_space<hbm>> -> memref<100352x16xf32, #tpu.memory_space<hbm>>
      tpu.enqueue_indirect_dma source(%dma_start3A_160 : memref<100352x16xf32, #tpu.memory_space<hbm>>) target(%dma_start3A_154 : memref<400x16xf32, #tpu.memory_space<vmem>>) offsets(%dma_start3A_157 : memref<400xi32, #tpu.memory_space<vmem>>) semaphore(%arg9 : memref<!tpu.dma_semaphore, #tpu.memory_space<semaphore_mem>>)
    } else {
    }
    %eq3A_63 = arith.constant 1 : i32
    %eq3A_64 = arith.cmpi eq, %arg0, %eq3A_63 : i32
    %convert_element_type3A_65 = arith.extui %eq3A_64 : i1 to i32
    %cond3A_66 = arith.constant 0 : i32
    %cond3A_67 = arith.cmpi ne, %convert_element_type3A_65, %cond3A_66 : i32
    scf.if %cond3A_67 {
      %dma_start3A_137 = arith.constant 0 : i32
      %dma_start3A_138 = arith.constant 0 : i32
      %dma_start3A_139 = arith.constant 0 : i32
      %dma_start3A_140 = arith.constant 0 : i32
      %dma_start3A_141 = tpu.memref_slice %arg8[%dma_start3A_138, %dma_start3A_139, %dma_start3A_140] : memref<2x800x16xf32, #tpu.memory_space<vmem>> -> memref<1x400x16xf32, #tpu.memory_space<vmem>>
      %dma_start3A_142 = tpu.memref_squeeze %dma_start3A_141 : memref<1x400x16xf32, #tpu.memory_space<vmem>> -> memref<400x16xf32, #tpu.memory_space<vmem>>
      %dma_start3A_143 = arith.constant 0 : i32
      %dma_start3A_144 = tpu.memref_slice %arg6[%dma_start3A_137, %dma_start3A_143] : memref<2x800xi32, #tpu.memory_space<vmem>> -> memref<1x400xi32, #tpu.memory_space<vmem>>
      %dma_start3A_145 = tpu.memref_squeeze %dma_start3A_144 : memref<1x400xi32, #tpu.memory_space<vmem>> -> memref<400xi32, #tpu.memory_space<vmem>>
      %dma_start3A_146 = arith.constant 0 : i32
      %dma_start3A_147 = arith.constant 0 : i32
      %dma_start3A_148 = tpu.memref_slice %arg4[%dma_start3A_146, %dma_start3A_147] : memref<100352x16xf32, #tpu.memory_space<hbm>> -> memref<100352x16xf32, #tpu.memory_space<hbm>>
      tpu.enqueue_indirect_dma source(%dma_start3A_148 : memref<100352x16xf32, #tpu.memory_space<hbm>>) target(%dma_start3A_142 : memref<400x16xf32, #tpu.memory_space<vmem>>) offsets(%dma_start3A_145 : memref<400xi32, #tpu.memory_space<vmem>>) semaphore(%arg9 : memref<!tpu.dma_semaphore, #tpu.memory_space<semaphore_mem>>)
      %dma_start3A_149 = arith.constant 0 : i32
      %dma_start3A_150 = arith.constant 0 : i32
      %dma_start3A_151 = arith.constant 400 : i32
      %dma_start3A_152 = arith.constant 0 : i32
      %dma_start3A_153 = tpu.memref_slice %arg8[%dma_start3A_150, %dma_start3A_151, %dma_start3A_152] : memref<2x800x16xf32, #tpu.memory_space<vmem>> -> memref<1x400x16xf32, #tpu.memory_space<vmem>>
      %dma_start3A_154 = tpu.memref_squeeze %dma_start3A_153 : memref<1x400x16xf32, #tpu.memory_space<vmem>> -> memref<400x16xf32, #tpu.memory_space<vmem>>
      %dma_start3A_155 = arith.constant 400 : i32
      %dma_start3A_156 = tpu.memref_slice %arg6[%dma_start3A_149, %dma_start3A_155] : memref<2x800xi32, #tpu.memory_space<vmem>> -> memref<1x400xi32, #tpu.memory_space<vmem>>
      %dma_start3A_157 = tpu.memref_squeeze %dma_start3A_156 : memref<1x400xi32, #tpu.memory_space<vmem>> -> memref<400xi32, #tpu.memory_space<vmem>>
      %dma_start3A_158 = arith.constant 0 : i32
      %dma_start3A_159 = arith.constant 0 : i32
      %dma_start3A_160 = tpu.memref_slice %arg4[%dma_start3A_158, %dma_start3A_159] : memref<100352x16xf32, #tpu.memory_space<hbm>> -> memref<100352x16xf32, #tpu.memory_space<hbm>>
      tpu.enqueue_indirect_dma source(%dma_start3A_160 : memref<100352x16xf32, #tpu.memory_space<hbm>>) target(%dma_start3A_154 : memref<400x16xf32, #tpu.memory_space<vmem>>) offsets(%dma_start3A_157 : memref<400xi32, #tpu.memory_space<vmem>>) semaphore(%arg9 : memref<!tpu.dma_semaphore, #tpu.memory_space<semaphore_mem>>)
    } else {
    }
    %mul3A_68 = arith.constant 100000 : i32
    %mul3A_69 = arith.muli %arg1, %mul3A_68 : i32
    %add3A_70 = arith.constant 800 : i32
    %add3A_71 = arith.addi %mul3A_69, %add3A_70 : i32
    %dma_start3A_72 = arith.constant 0 : i32
    %dma_start3A_73 = arith.constant 1 : i32
    %dma_start3A_74 = arith.constant 0 : i32
    %dma_start3A_75 = tpu.memref_slice %arg6[%dma_start3A_73, %dma_start3A_74] : memref<2x800xi32, #tpu.memory_space<vmem>> -> memref<1x800xi32, #tpu.memory_space<vmem>>
    %dma_start3A_76 = tpu.memref_squeeze %dma_start3A_75 : memref<1x800xi32, #tpu.memory_space<vmem>> -> memref<800xi32, #tpu.memory_space<vmem>>
    %dma_start3A_77 = tpu.memref_slice %arg2[%dma_start3A_72, %add3A_71] : memref<2x1600000xi32, #tpu.memory_space<hbm>> -> memref<1x800xi32, #tpu.memory_space<hbm>>
    %dma_start3A_78 = tpu.memref_squeeze %dma_start3A_77 : memref<1x800xi32, #tpu.memory_space<hbm>> -> memref<800xi32, #tpu.memory_space<hbm>>
    %dma_start3A_79 = arith.constant 0 : i32
    %dma_start3A_80 = tpu.memref_slice %arg6[%dma_start3A_73, %dma_start3A_79] : memref<2x800xi32, #tpu.memory_space<vmem>> -> memref<1x800xi32, #tpu.memory_space<vmem>>
    %dma_start3A_81 = tpu.memref_squeeze %dma_start3A_80 : memref<1x800xi32, #tpu.memory_space<vmem>> -> memref<800xi32, #tpu.memory_space<vmem>>
    %dma_start3A_82 = tpu.memref_slice %arg2[%dma_start3A_72, %add3A_71] : memref<2x1600000xi32, #tpu.memory_space<hbm>> -> memref<1x800xi32, #tpu.memory_space<hbm>>
    %dma_start3A_83 = tpu.memref_squeeze %dma_start3A_82 : memref<1x800xi32, #tpu.memory_space<hbm>> -> memref<800xi32, #tpu.memory_space<hbm>>
    tpu.enqueue_dma source(%dma_start3A_83 : memref<800xi32, #tpu.memory_space<hbm>>) target(%dma_start3A_81 : memref<800xi32, #tpu.memory_space<vmem>>) target_semaphore(%arg10 : memref<!tpu.dma_semaphore, #tpu.memory_space<semaphore_mem>>)
    %dma_start3A_84 = arith.constant 1 : i32
    %dma_start3A_85 = arith.constant 1 : i32
    %dma_start3A_86 = arith.constant 0 : i32
    %dma_start3A_87 = tpu.memref_slice %arg7[%dma_start3A_85, %dma_start3A_86] : memref<2x800xi32, #tpu.memory_space<vmem>> -> memref<1x800xi32, #tpu.memory_space<vmem>>
    %dma_start3A_88 = tpu.memref_squeeze %dma_start3A_87 : memref<1x800xi32, #tpu.memory_space<vmem>> -> memref<800xi32, #tpu.memory_space<vmem>>
    %dma_start3A_89 = tpu.memref_slice %arg2[%dma_start3A_84, %add3A_71] : memref<2x1600000xi32, #tpu.memory_space<hbm>> -> memref<1x800xi32, #tpu.memory_space<hbm>>
    %dma_start3A_90 = tpu.memref_squeeze %dma_start3A_89 : memref<1x800xi32, #tpu.memory_space<hbm>> -> memref<800xi32, #tpu.memory_space<hbm>>
    %dma_start3A_91 = arith.constant 0 : i32
    %dma_start3A_92 = tpu.memref_slice %arg7[%dma_start3A_85, %dma_start3A_91] : memref<2x800xi32, #tpu.memory_space<vmem>> -> memref<1x800xi32, #tpu.memory_space<vmem>>
    %dma_start3A_93 = tpu.memref_squeeze %dma_start3A_92 : memref<1x800xi32, #tpu.memory_space<vmem>> -> memref<800xi32, #tpu.memory_space<vmem>>
    %dma_start3A_94 = tpu.memref_slice %arg2[%dma_start3A_84, %add3A_71] : memref<2x1600000xi32, #tpu.memory_space<hbm>> -> memref<1x800xi32, #tpu.memory_space<hbm>>
    %dma_start3A_95 = tpu.memref_squeeze %dma_start3A_94 : memref<1x800xi32, #tpu.memory_space<hbm>> -> memref<800xi32, #tpu.memory_space<hbm>>
    tpu.enqueue_dma source(%dma_start3A_95 : memref<800xi32, #tpu.memory_space<hbm>>) target(%dma_start3A_93 : memref<800xi32, #tpu.memory_space<vmem>>) target_semaphore(%arg10 : memref<!tpu.dma_semaphore, #tpu.memory_space<semaphore_mem>>)
    %dma_wait3A_96 = arith.constant 0 : i32
    %dma_wait3A_97 = arith.constant 1 : i32
    %dma_wait3A_98 = arith.constant 0 : i32
    %dma_wait3A_99 = tpu.memref_slice %arg6[%dma_wait3A_97, %dma_wait3A_98] : memref<2x800xi32, #tpu.memory_space<vmem>> -> memref<1x800xi32, #tpu.memory_space<vmem>>
    %dma_wait3A_100 = tpu.memref_squeeze %dma_wait3A_99 : memref<1x800xi32, #tpu.memory_space<vmem>> -> memref<800xi32, #tpu.memory_space<vmem>>
    %dma_wait3A_101 = arith.constant 0 : i32
    %dma_wait3A_102 = tpu.memref_slice %arg2[%dma_wait3A_96, %dma_wait3A_101] : memref<2x1600000xi32, #tpu.memory_space<hbm>> -> memref<1x800xi32, #tpu.memory_space<hbm>>
    %dma_wait3A_103 = tpu.memref_squeeze %dma_wait3A_102 : memref<1x800xi32, #tpu.memory_space<hbm>> -> memref<800xi32, #tpu.memory_space<hbm>>
    %dma_wait3A_104 = arith.constant 0 : i32
    %dma_wait3A_105 = tpu.memref_slice %arg6[%dma_wait3A_97, %dma_wait3A_104] : memref<2x800xi32, #tpu.memory_space<vmem>> -> memref<1x800xi32, #tpu.memory_space<vmem>>
    %dma_wait3A_106 = tpu.memref_squeeze %dma_wait3A_105 : memref<1x800xi32, #tpu.memory_space<vmem>> -> memref<800xi32, #tpu.memory_space<vmem>>
    %dma_wait3A_107 = arith.constant 0 : i32
    %dma_wait3A_108 = tpu.memref_slice %arg2[%dma_wait3A_96, %dma_wait3A_107] : memref<2x1600000xi32, #tpu.memory_space<hbm>> -> memref<1x800xi32, #tpu.memory_space<hbm>>
    %dma_wait3A_109 = tpu.memref_squeeze %dma_wait3A_108 : memref<1x800xi32, #tpu.memory_space<hbm>> -> memref<800xi32, #tpu.memory_space<hbm>>
    tpu.wait_dma2 semaphore(%arg10 : memref<!tpu.dma_semaphore, #tpu.memory_space<semaphore_mem>>) src(%dma_wait3A_109 : memref<800xi32, #tpu.memory_space<hbm>>) dst(%dma_wait3A_106 : memref<800xi32, #tpu.memory_space<vmem>>)
    %dma_wait3A_110 = arith.constant 1 : i32
    %dma_wait3A_111 = arith.constant 1 : i32
    %dma_wait3A_112 = arith.constant 0 : i32
    %dma_wait3A_113 = tpu.memref_slice %arg7[%dma_wait3A_111, %dma_wait3A_112] : memref<2x800xi32, #tpu.memory_space<vmem>> -> memref<1x800xi32, #tpu.memory_space<vmem>>
    %dma_wait3A_114 = tpu.memref_squeeze %dma_wait3A_113 : memref<1x800xi32, #tpu.memory_space<vmem>> -> memref<800xi32, #tpu.memory_space<vmem>>
    %dma_wait3A_115 = arith.constant 0 : i32
    %dma_wait3A_116 = tpu.memref_slice %arg2[%dma_wait3A_110, %dma_wait3A_115] : memref<2x1600000xi32, #tpu.memory_space<hbm>> -> memref<1x800xi32, #tpu.memory_space<hbm>>
    %dma_wait3A_117 = tpu.memref_squeeze %dma_wait3A_116 : memref<1x800xi32, #tpu.memory_space<hbm>> -> memref<800xi32, #tpu.memory_space<hbm>>
    %dma_wait3A_118 = arith.constant 0 : i32
    %dma_wait3A_119 = tpu.memref_slice %arg7[%dma_wait3A_111, %dma_wait3A_118] : memref<2x800xi32, #tpu.memory_space<vmem>> -> memref<1x800xi32, #tpu.memory_space<vmem>>
    %dma_wait3A_120 = tpu.memref_squeeze %dma_wait3A_119 : memref<1x800xi32, #tpu.memory_space<vmem>> -> memref<800xi32, #tpu.memory_space<vmem>>
    %dma_wait3A_121 = arith.constant 0 : i32
    %dma_wait3A_122 = tpu.memref_slice %arg2[%dma_wait3A_110, %dma_wait3A_121] : memref<2x1600000xi32, #tpu.memory_space<hbm>> -> memref<1x800xi32, #tpu.memory_space<hbm>>
    %dma_wait3A_123 = tpu.memref_squeeze %dma_wait3A_122 : memref<1x800xi32, #tpu.memory_space<hbm>> -> memref<800xi32, #tpu.memory_space<hbm>>
    tpu.wait_dma2 semaphore(%arg10 : memref<!tpu.dma_semaphore, #tpu.memory_space<semaphore_mem>>) src(%dma_wait3A_123 : memref<800xi32, #tpu.memory_space<hbm>>) dst(%dma_wait3A_120 : memref<800xi32, #tpu.memory_space<vmem>>)
    %scan3A_124 = arith.constant 0 : i32
    %scan3A_125 = arith.constant 125 : i32
    %scan3A_126 = arith.addi %scan3A_124, %scan3A_125 : i32
    %scan3A_127 = arith.constant 1 : i32
    scf.for %scan3A_137 = %scan3A_124 to %scan3A_126 step %scan3A_127  : i32 {
      %mul3A_138 = arith.constant 1 : i32
      %mul3A_139 = arith.muli %scan3A_137, %mul3A_138 : i32
      %add3A_140 = arith.constant 0 : i32
      %add3A_141 = arith.addi %add3A_140, %mul3A_139 : i32
      %rem3A = arith.constant 2 : i32
      %rem3A_142 = arith.remsi %add3A_141, %rem3A : i32
      %sub3A = arith.constant 1 : i32
      %sub3A_143 = arith.subi %sub3A, %rem3A_142 : i32
      %dma_wait3A_144 = arith.constant 0 : i32
      %dma_wait3A_145 = arith.constant 0 : i32
      %dma_wait3A_146 = tpu.memref_slice %arg8[%rem3A_142, %dma_wait3A_144, %dma_wait3A_145] : memref<2x800x16xf32, #tpu.memory_space<vmem>> -> memref<1x800x16xf32, #tpu.memory_space<vmem>>
      %dma_wait3A_147 = tpu.memref_squeeze %dma_wait3A_146 : memref<1x800x16xf32, #tpu.memory_space<vmem>> -> memref<800x16xf32, #tpu.memory_space<vmem>>
      %dma_wait3A_148 = arith.constant 0 : i32
      %dma_wait3A_149 = tpu.memref_slice %arg6[%rem3A_142, %dma_wait3A_148] : memref<2x800xi32, #tpu.memory_space<vmem>> -> memref<1x800xi32, #tpu.memory_space<vmem>>
      %dma_wait3A_150 = tpu.memref_squeeze %dma_wait3A_149 : memref<1x800xi32, #tpu.memory_space<vmem>> -> memref<800xi32, #tpu.memory_space<vmem>>
      %dma_wait3A_151 = arith.constant 0 : i32
      %dma_wait3A_152 = arith.constant 0 : i32
      %dma_wait3A_153 = tpu.memref_slice %arg3[%dma_wait3A_151, %dma_wait3A_152] : memref<100352x16xf32, #tpu.memory_space<hbm>> -> memref<100352x16xf32, #tpu.memory_space<hbm>>
      tpu.wait_indirect_dma semaphore(%arg9 : memref<!tpu.dma_semaphore, #tpu.memory_space<semaphore_mem>>) src(%dma_wait3A_153 : memref<100352x16xf32, #tpu.memory_space<hbm>>) dst(%dma_wait3A_147 : memref<800x16xf32, #tpu.memory_space<vmem>>)
      %add3A_154 = arith.constant 1 : i32
      %add3A_155 = arith.addi %add3A_141, %add3A_154 : i32
      %lt3A = arith.constant 125 : i32
      %lt3A_156 = arith.cmpi slt, %add3A_155, %lt3A : i32
      %convert_element_type3A_157 = arith.extui %lt3A_156 : i1 to i32
      %cond3A_158 = arith.constant 0 : i32
      %cond3A_159 = arith.cmpi ne, %convert_element_type3A_157, %cond3A_158 : i32
      scf.if %cond3A_159 {
        %add3A_167 = arith.constant 1 : i32
        %add3A_168 = arith.addi %add3A_141, %add3A_167 : i32
        %eq3A_169 = arith.constant 0 : i32
        %eq3A_170 = arith.cmpi eq, %arg0, %eq3A_169 : i32
        %convert_element_type3A_171 = arith.extui %eq3A_170 : i1 to i32
        %cond3A_172 = arith.constant 0 : i32
        %cond3A_173 = arith.cmpi ne, %convert_element_type3A_171, %cond3A_172 : i32
        scf.if %cond3A_173 {
          %dma_start3A_179 = arith.constant 0 : i32
          %dma_start3A_180 = arith.constant 0 : i32
          %dma_start3A_181 = tpu.memref_slice %arg8[%sub3A_143, %dma_start3A_179, %dma_start3A_180] : memref<2x800x16xf32, #tpu.memory_space<vmem>> -> memref<1x400x16xf32, #tpu.memory_space<vmem>>
          %dma_start3A_182 = tpu.memref_squeeze %dma_start3A_181 : memref<1x400x16xf32, #tpu.memory_space<vmem>> -> memref<400x16xf32, #tpu.memory_space<vmem>>
          %dma_start3A_183 = arith.constant 0 : i32
          %dma_start3A_184 = tpu.memref_slice %arg6[%sub3A_143, %dma_start3A_183] : memref<2x800xi32, #tpu.memory_space<vmem>> -> memref<1x400xi32, #tpu.memory_space<vmem>>
          %dma_start3A_185 = tpu.memref_squeeze %dma_start3A_184 : memref<1x400xi32, #tpu.memory_space<vmem>> -> memref<400xi32, #tpu.memory_space<vmem>>
          %dma_start3A_186 = arith.constant 0 : i32
          %dma_start3A_187 = arith.constant 0 : i32
          %dma_start3A_188 = tpu.memref_slice %arg3[%dma_start3A_186, %dma_start3A_187] : memref<100352x16xf32, #tpu.memory_space<hbm>> -> memref<100352x16xf32, #tpu.memory_space<hbm>>
          tpu.enqueue_indirect_dma source(%dma_start3A_188 : memref<100352x16xf32, #tpu.memory_space<hbm>>) target(%dma_start3A_182 : memref<400x16xf32, #tpu.memory_space<vmem>>) offsets(%dma_start3A_185 : memref<400xi32, #tpu.memory_space<vmem>>) semaphore(%arg9 : memref<!tpu.dma_semaphore, #tpu.memory_space<semaphore_mem>>)
          %dma_start3A_189 = arith.constant 400 : i32
          %dma_start3A_190 = arith.constant 0 : i32
          %dma_start3A_191 = tpu.memref_slice %arg8[%sub3A_143, %dma_start3A_189, %dma_start3A_190] : memref<2x800x16xf32, #tpu.memory_space<vmem>> -> memref<1x400x16xf32, #tpu.memory_space<vmem>>
          %dma_start3A_192 = tpu.memref_squeeze %dma_start3A_191 : memref<1x400x16xf32, #tpu.memory_space<vmem>> -> memref<400x16xf32, #tpu.memory_space<vmem>>
          %dma_start3A_193 = arith.constant 400 : i32
          %dma_start3A_194 = tpu.memref_slice %arg6[%sub3A_143, %dma_start3A_193] : memref<2x800xi32, #tpu.memory_space<vmem>> -> memref<1x400xi32, #tpu.memory_space<vmem>>
          %dma_start3A_195 = tpu.memref_squeeze %dma_start3A_194 : memref<1x400xi32, #tpu.memory_space<vmem>> -> memref<400xi32, #tpu.memory_space<vmem>>
          %dma_start3A_196 = arith.constant 0 : i32
          %dma_start3A_197 = arith.constant 0 : i32
          %dma_start3A_198 = tpu.memref_slice %arg3[%dma_start3A_196, %dma_start3A_197] : memref<100352x16xf32, #tpu.memory_space<hbm>> -> memref<100352x16xf32, #tpu.memory_space<hbm>>
          tpu.enqueue_indirect_dma source(%dma_start3A_198 : memref<100352x16xf32, #tpu.memory_space<hbm>>) target(%dma_start3A_192 : memref<400x16xf32, #tpu.memory_space<vmem>>) offsets(%dma_start3A_195 : memref<400xi32, #tpu.memory_space<vmem>>) semaphore(%arg9 : memref<!tpu.dma_semaphore, #tpu.memory_space<semaphore_mem>>)
        } else {
        }
        %eq3A_174 = arith.constant 1 : i32
        %eq3A_175 = arith.cmpi eq, %arg0, %eq3A_174 : i32
        %convert_element_type3A_176 = arith.extui %eq3A_175 : i1 to i32
        %cond3A_177 = arith.constant 0 : i32
        %cond3A_178 = arith.cmpi ne, %convert_element_type3A_176, %cond3A_177 : i32
        scf.if %cond3A_178 {
          %dma_start3A_179 = arith.constant 0 : i32
          %dma_start3A_180 = arith.constant 0 : i32
          %dma_start3A_181 = tpu.memref_slice %arg8[%sub3A_143, %dma_start3A_179, %dma_start3A_180] : memref<2x800x16xf32, #tpu.memory_space<vmem>> -> memref<1x400x16xf32, #tpu.memory_space<vmem>>
          %dma_start3A_182 = tpu.memref_squeeze %dma_start3A_181 : memref<1x400x16xf32, #tpu.memory_space<vmem>> -> memref<400x16xf32, #tpu.memory_space<vmem>>
          %dma_start3A_183 = arith.constant 0 : i32
          %dma_start3A_184 = tpu.memref_slice %arg6[%sub3A_143, %dma_start3A_183] : memref<2x800xi32, #tpu.memory_space<vmem>> -> memref<1x400xi32, #tpu.memory_space<vmem>>
          %dma_start3A_185 = tpu.memref_squeeze %dma_start3A_184 : memref<1x400xi32, #tpu.memory_space<vmem>> -> memref<400xi32, #tpu.memory_space<vmem>>
          %dma_start3A_186 = arith.constant 0 : i32
          %dma_start3A_187 = arith.constant 0 : i32
          %dma_start3A_188 = tpu.memref_slice %arg4[%dma_start3A_186, %dma_start3A_187] : memref<100352x16xf32, #tpu.memory_space<hbm>> -> memref<100352x16xf32, #tpu.memory_space<hbm>>
          tpu.enqueue_indirect_dma source(%dma_start3A_188 : memref<100352x16xf32, #tpu.memory_space<hbm>>) target(%dma_start3A_182 : memref<400x16xf32, #tpu.memory_space<vmem>>) offsets(%dma_start3A_185 : memref<400xi32, #tpu.memory_space<vmem>>) semaphore(%arg9 : memref<!tpu.dma_semaphore, #tpu.memory_space<semaphore_mem>>)
          %dma_start3A_189 = arith.constant 400 : i32
          %dma_start3A_190 = arith.constant 0 : i32
          %dma_start3A_191 = tpu.memref_slice %arg8[%sub3A_143, %dma_start3A_189, %dma_start3A_190] : memref<2x800x16xf32, #tpu.memory_space<vmem>> -> memref<1x400x16xf32, #tpu.memory_space<vmem>>
          %dma_start3A_192 = tpu.memref_squeeze %dma_start3A_191 : memref<1x400x16xf32, #tpu.memory_space<vmem>> -> memref<400x16xf32, #tpu.memory_space<vmem>>
          %dma_start3A_193 = arith.constant 400 : i32
          %dma_start3A_194 = tpu.memref_slice %arg6[%sub3A_143, %dma_start3A_193] : memref<2x800xi32, #tpu.memory_space<vmem>> -> memref<1x400xi32, #tpu.memory_space<vmem>>
          %dma_start3A_195 = tpu.memref_squeeze %dma_start3A_194 : memref<1x400xi32, #tpu.memory_space<vmem>> -> memref<400xi32, #tpu.memory_space<vmem>>
          %dma_start3A_196 = arith.constant 0 : i32
          %dma_start3A_197 = arith.constant 0 : i32
          %dma_start3A_198 = tpu.memref_slice %arg4[%dma_start3A_196, %dma_start3A_197] : memref<100352x16xf32, #tpu.memory_space<hbm>> -> memref<100352x16xf32, #tpu.memory_space<hbm>>
          tpu.enqueue_indirect_dma source(%dma_start3A_198 : memref<100352x16xf32, #tpu.memory_space<hbm>>) target(%dma_start3A_192 : memref<400x16xf32, #tpu.memory_space<vmem>>) offsets(%dma_start3A_195 : memref<400xi32, #tpu.memory_space<vmem>>) semaphore(%arg9 : memref<!tpu.dma_semaphore, #tpu.memory_space<semaphore_mem>>)
        } else {
        }
      } else {
      }
      "tpu.region"() ({
        %run_scoped3A = tpu.sem_alloc : memref<!tpu.dma_semaphore, #tpu.memory_space<semaphore_mem>>
        %dma_start3A_167 = arith.constant 0 : i32
        %dma_start3A_168 = arith.constant 0 : i32
        %dma_start3A_169 = tpu.memref_slice %arg8[%rem3A_142, %dma_start3A_167, %dma_start3A_168] : memref<2x800x16xf32, #tpu.memory_space<vmem>> -> memref<1x800x16xf32, #tpu.memory_space<vmem>>
        %dma_start3A_170 = tpu.memref_squeeze %dma_start3A_169 : memref<1x800x16xf32, #tpu.memory_space<vmem>> -> memref<800x16xf32, #tpu.memory_space<vmem>>
        %dma_start3A_171 = arith.constant 0 : i32
        %dma_start3A_172 = tpu.memref_slice %arg7[%rem3A_142, %dma_start3A_171] : memref<2x800xi32, #tpu.memory_space<vmem>> -> memref<1x800xi32, #tpu.memory_space<vmem>>
        %dma_start3A_173 = tpu.memref_squeeze %dma_start3A_172 : memref<1x800xi32, #tpu.memory_space<vmem>> -> memref<800xi32, #tpu.memory_space<vmem>>
        %dma_start3A_174 = arith.constant 0 : i32
        %dma_start3A_175 = arith.constant 0 : i32
        %dma_start3A_176 = tpu.memref_slice %arg11[%dma_start3A_174, %dma_start3A_175] : memref<100352x16xf32, #tpu.memory_space<vmem_shared>> -> memref<100352x16xf32, #tpu.memory_space<vmem_shared>>
        tpu.enqueue_indirect_dma source(%dma_start3A_170 : memref<800x16xf32, #tpu.memory_space<vmem>>) target(%dma_start3A_176 : memref<100352x16xf32, #tpu.memory_space<vmem_shared>>) offsets(%dma_start3A_173 : memref<800xi32, #tpu.memory_space<vmem>>) semaphore(%run_scoped3A : memref<!tpu.dma_semaphore, #tpu.memory_space<semaphore_mem>>) {add = true}
        %dma_wait3A_177 = arith.constant 0 : i32
        %dma_wait3A_178 = arith.constant 0 : i32
        %dma_wait3A_179 = tpu.memref_slice %arg8[%rem3A_142, %dma_wait3A_177, %dma_wait3A_178] : memref<2x800x16xf32, #tpu.memory_space<vmem>> -> memref<1x800x16xf32, #tpu.memory_space<vmem>>
        %dma_wait3A_180 = tpu.memref_squeeze %dma_wait3A_179 : memref<1x800x16xf32, #tpu.memory_space<vmem>> -> memref<800x16xf32, #tpu.memory_space<vmem>>
        %dma_wait3A_181 = arith.constant 0 : i32
        %dma_wait3A_182 = tpu.memref_slice %arg7[%rem3A_142, %dma_wait3A_181] : memref<2x800xi32, #tpu.memory_space<vmem>> -> memref<1x800xi32, #tpu.memory_space<vmem>>
        %dma_wait3A_183 = tpu.memref_squeeze %dma_wait3A_182 : memref<1x800xi32, #tpu.memory_space<vmem>> -> memref<800xi32, #tpu.memory_space<vmem>>
        %dma_wait3A_184 = arith.constant 0 : i32
        %dma_wait3A_185 = arith.constant 0 : i32
        %dma_wait3A_186 = tpu.memref_slice %arg11[%dma_wait3A_184, %dma_wait3A_185] : memref<100352x16xf32, #tpu.memory_space<vmem_shared>> -> memref<100352x16xf32, #tpu.memory_space<vmem_shared>>
        tpu.wait_indirect_dma semaphore(%run_scoped3A : memref<!tpu.dma_semaphore, #tpu.memory_space<semaphore_mem>>) src(%dma_wait3A_180 : memref<800x16xf32, #tpu.memory_space<vmem>>) dst(%dma_wait3A_186 : memref<100352x16xf32, #tpu.memory_space<vmem_shared>>)
        tpu.yield
      }) : () -> ()
      %add3A_160 = arith.constant 2 : i32
      %add3A_161 = arith.addi %add3A_141, %add3A_160 : i32
      %lt3A_162 = arith.constant 125 : i32
      %lt3A_163 = arith.cmpi slt, %add3A_161, %lt3A_162 : i32
      %convert_element_type3A_164 = arith.extui %lt3A_163 : i1 to i32
      %cond3A_165 = arith.constant 0 : i32
      %cond3A_166 = arith.cmpi ne, %convert_element_type3A_164, %cond3A_165 : i32
      scf.if %cond3A_166 {
        %add3A_167 = arith.constant 2 : i32
        %add3A_168 = arith.addi %add3A_141, %add3A_167 : i32
        %mul3A_169 = arith.constant 100000 : i32
        %mul3A_170 = arith.muli %arg1, %mul3A_169 : i32
        %mul3A_171 = arith.constant 800 : i32
        %mul3A_172 = arith.muli %add3A_168, %mul3A_171 : i32
        %add3A_173 = arith.addi %mul3A_170, %mul3A_172 : i32
        %dma_start3A_174 = arith.constant 0 : i32
        %dma_start3A_175 = arith.constant 0 : i32
        %dma_start3A_176 = tpu.memref_slice %arg6[%rem3A_142, %dma_start3A_175] : memref<2x800xi32, #tpu.memory_space<vmem>> -> memref<1x800xi32, #tpu.memory_space<vmem>>
        %dma_start3A_177 = tpu.memref_squeeze %dma_start3A_176 : memref<1x800xi32, #tpu.memory_space<vmem>> -> memref<800xi32, #tpu.memory_space<vmem>>
        %dma_start3A_178 = tpu.memref_slice %arg2[%dma_start3A_174, %add3A_173] : memref<2x1600000xi32, #tpu.memory_space<hbm>> -> memref<1x800xi32, #tpu.memory_space<hbm>>
        %dma_start3A_179 = tpu.memref_squeeze %dma_start3A_178 : memref<1x800xi32, #tpu.memory_space<hbm>> -> memref<800xi32, #tpu.memory_space<hbm>>
        %dma_start3A_180 = arith.constant 0 : i32
        %dma_start3A_181 = tpu.memref_slice %arg6[%rem3A_142, %dma_start3A_180] : memref<2x800xi32, #tpu.memory_space<vmem>> -> memref<1x800xi32, #tpu.memory_space<vmem>>
        %dma_start3A_182 = tpu.memref_squeeze %dma_start3A_181 : memref<1x800xi32, #tpu.memory_space<vmem>> -> memref<800xi32, #tpu.memory_space<vmem>>
        %dma_start3A_183 = tpu.memref_slice %arg2[%dma_start3A_174, %add3A_173] : memref<2x1600000xi32, #tpu.memory_space<hbm>> -> memref<1x800xi32, #tpu.memory_space<hbm>>
        %dma_start3A_184 = tpu.memref_squeeze %dma_start3A_183 : memref<1x800xi32, #tpu.memory_space<hbm>> -> memref<800xi32, #tpu.memory_space<hbm>>
        tpu.enqueue_dma source(%dma_start3A_184 : memref<800xi32, #tpu.memory_space<hbm>>) target(%dma_start3A_182 : memref<800xi32, #tpu.memory_space<vmem>>) target_semaphore(%arg10 : memref<!tpu.dma_semaphore, #tpu.memory_space<semaphore_mem>>)
        %dma_start3A_185 = arith.constant 1 : i32
        %dma_start3A_186 = arith.constant 0 : i32
        %dma_start3A_187 = tpu.memref_slice %arg7[%rem3A_142, %dma_start3A_186] : memref<2x800xi32, #tpu.memory_space<vmem>> -> memref<1x800xi32, #tpu.memory_space<vmem>>
        %dma_start3A_188 = tpu.memref_squeeze %dma_start3A_187 : memref<1x800xi32, #tpu.memory_space<vmem>> -> memref<800xi32, #tpu.memory_space<vmem>>
        %dma_start3A_189 = tpu.memref_slice %arg2[%dma_start3A_185, %add3A_173] : memref<2x1600000xi32, #tpu.memory_space<hbm>> -> memref<1x800xi32, #tpu.memory_space<hbm>>
        %dma_start3A_190 = tpu.memref_squeeze %dma_start3A_189 : memref<1x800xi32, #tpu.memory_space<hbm>> -> memref<800xi32, #tpu.memory_space<hbm>>
        %dma_start3A_191 = arith.constant 0 : i32
        %dma_start3A_192 = tpu.memref_slice %arg7[%rem3A_142, %dma_start3A_191] : memref<2x800xi32, #tpu.memory_space<vmem>> -> memref<1x800xi32, #tpu.memory_space<vmem>>
        %dma_start3A_193 = tpu.memref_squeeze %dma_start3A_192 : memref<1x800xi32, #tpu.memory_space<vmem>> -> memref<800xi32, #tpu.memory_space<vmem>>
        %dma_start3A_194 = tpu.memref_slice %arg2[%dma_start3A_185, %add3A_173] : memref<2x1600000xi32, #tpu.memory_space<hbm>> -> memref<1x800xi32, #tpu.memory_space<hbm>>
        %dma_start3A_195 = tpu.memref_squeeze %dma_start3A_194 : memref<1x800xi32, #tpu.memory_space<hbm>> -> memref<800xi32, #tpu.memory_space<hbm>>
        tpu.enqueue_dma source(%dma_start3A_195 : memref<800xi32, #tpu.memory_space<hbm>>) target(%dma_start3A_193 : memref<800xi32, #tpu.memory_space<vmem>>) target_semaphore(%arg10 : memref<!tpu.dma_semaphore, #tpu.memory_space<semaphore_mem>>)
        %dma_wait3A_196 = arith.constant 0 : i32
        %dma_wait3A_197 = arith.constant 0 : i32
        %dma_wait3A_198 = tpu.memref_slice %arg6[%rem3A_142, %dma_wait3A_197] : memref<2x800xi32, #tpu.memory_space<vmem>> -> memref<1x800xi32, #tpu.memory_space<vmem>>
        %dma_wait3A_199 = tpu.memref_squeeze %dma_wait3A_198 : memref<1x800xi32, #tpu.memory_space<vmem>> -> memref<800xi32, #tpu.memory_space<vmem>>
        %dma_wait3A_200 = arith.constant 0 : i32
        %dma_wait3A_201 = tpu.memref_slice %arg2[%dma_wait3A_196, %dma_wait3A_200] : memref<2x1600000xi32, #tpu.memory_space<hbm>> -> memref<1x800xi32, #tpu.memory_space<hbm>>
        %dma_wait3A_202 = tpu.memref_squeeze %dma_wait3A_201 : memref<1x800xi32, #tpu.memory_space<hbm>> -> memref<800xi32, #tpu.memory_space<hbm>>
        %dma_wait3A_203 = arith.constant 0 : i32
        %dma_wait3A_204 = tpu.memref_slice %arg6[%rem3A_142, %dma_wait3A_203] : memref<2x800xi32, #tpu.memory_space<vmem>> -> memref<1x800xi32, #tpu.memory_space<vmem>>
        %dma_wait3A_205 = tpu.memref_squeeze %dma_wait3A_204 : memref<1x800xi32, #tpu.memory_space<vmem>> -> memref<800xi32, #tpu.memory_space<vmem>>
        %dma_wait3A_206 = arith.constant 0 : i32
        %dma_wait3A_207 = tpu.memref_slice %arg2[%dma_wait3A_196, %dma_wait3A_206] : memref<2x1600000xi32, #tpu.memory_space<hbm>> -> memref<1x800xi32, #tpu.memory_space<hbm>>
        %dma_wait3A_208 = tpu.memref_squeeze %dma_wait3A_207 : memref<1x800xi32, #tpu.memory_space<hbm>> -> memref<800xi32, #tpu.memory_space<hbm>>
        tpu.wait_dma2 semaphore(%arg10 : memref<!tpu.dma_semaphore, #tpu.memory_space<semaphore_mem>>) src(%dma_wait3A_208 : memref<800xi32, #tpu.memory_space<hbm>>) dst(%dma_wait3A_205 : memref<800xi32, #tpu.memory_space<vmem>>)
        %dma_wait3A_209 = arith.constant 1 : i32
        %dma_wait3A_210 = arith.constant 0 : i32
        %dma_wait3A_211 = tpu.memref_slice %arg7[%rem3A_142, %dma_wait3A_210] : memref<2x800xi32, #tpu.memory_space<vmem>> -> memref<1x800xi32, #tpu.memory_space<vmem>>
        %dma_wait3A_212 = tpu.memref_squeeze %dma_wait3A_211 : memref<1x800xi32, #tpu.memory_space<vmem>> -> memref<800xi32, #tpu.memory_space<vmem>>
        %dma_wait3A_213 = arith.constant 0 : i32
        %dma_wait3A_214 = tpu.memref_slice %arg2[%dma_wait3A_209, %dma_wait3A_213] : memref<2x1600000xi32, #tpu.memory_space<hbm>> -> memref<1x800xi32, #tpu.memory_space<hbm>>
        %dma_wait3A_215 = tpu.memref_squeeze %dma_wait3A_214 : memref<1x800xi32, #tpu.memory_space<hbm>> -> memref<800xi32, #tpu.memory_space<hbm>>
        %dma_wait3A_216 = arith.constant 0 : i32
        %dma_wait3A_217 = tpu.memref_slice %arg7[%rem3A_142, %dma_wait3A_216] : memref<2x800xi32, #tpu.memory_space<vmem>> -> memref<1x800xi32, #tpu.memory_space<vmem>>
        %dma_wait3A_218 = tpu.memref_squeeze %dma_wait3A_217 : memref<1x800xi32, #tpu.memory_space<vmem>> -> memref<800xi32, #tpu.memory_space<vmem>>
        %dma_wait3A_219 = arith.constant 0 : i32
        %dma_wait3A_220 = tpu.memref_slice %arg2[%dma_wait3A_209, %dma_wait3A_219] : memref<2x1600000xi32, #tpu.memory_space<hbm>> -> memref<1x800xi32, #tpu.memory_space<hbm>>
        %dma_wait3A_221 = tpu.memref_squeeze %dma_wait3A_220 : memref<1x800xi32, #tpu.memory_space<hbm>> -> memref<800xi32, #tpu.memory_space<hbm>>
        tpu.wait_dma2 semaphore(%arg10 : memref<!tpu.dma_semaphore, #tpu.memory_space<semaphore_mem>>) src(%dma_wait3A_221 : memref<800xi32, #tpu.memory_space<hbm>>) dst(%dma_wait3A_218 : memref<800xi32, #tpu.memory_space<vmem>>)
      } else {
      }
    }
    %scan3A_128 = arith.constant 125 : i32
    %barrier3A_129 = arith.constant 0 : index
    tpu.barrier barrier_id(%barrier3A_129)
    %mul3A_130 = arith.constant 6272 : i32
    %mul3A_131 = arith.muli %arg1, %mul3A_130 : i32
    %mul3A_132 = arith.constant 100352 : i32
    %mul3A_133 = arith.muli %arg0, %mul3A_132 : i32
    %mul3A_134 = arith.constant 6272 : i32
    %mul3A_135 = arith.muli %arg1, %mul3A_134 : i32
    %add3A_136 = arith.addi %mul3A_133, %mul3A_135 : i32
    "tpu.region"() ({
      %run_scoped3A = tpu.sem_alloc : memref<!tpu.dma_semaphore, #tpu.memory_space<semaphore_mem>>
      %dma_start3A_137 = arith.constant 0 : i32
      %dma_start3A_138 = tpu.memref_slice %arg5[%add3A_136, %dma_start3A_137] : memref<200704x16xf32, #tpu.memory_space<hbm>> -> memref<6272x16xf32, #tpu.memory_space<hbm>>
      %dma_start3A_139 = arith.constant 0 : i32
      %dma_start3A_140 = tpu.memref_slice %arg11[%mul3A_131, %dma_start3A_139] : memref<100352x16xf32, #tpu.memory_space<vmem_shared>> -> memref<6272x16xf32, #tpu.memory_space<vmem_shared>>
      tpu.enqueue_dma source(%dma_start3A_140 : memref<6272x16xf32, #tpu.memory_space<vmem_shared>>) target(%dma_start3A_138 : memref<6272x16xf32, #tpu.memory_space<hbm>>) target_semaphore(%run_scoped3A : memref<!tpu.dma_semaphore, #tpu.memory_space<semaphore_mem>>)
      %dma_wait3A_141 = arith.constant 0 : i32
      %dma_wait3A_142 = tpu.memref_slice %arg5[%add3A_136, %dma_wait3A_141] : memref<200704x16xf32, #tpu.memory_space<hbm>> -> memref<6272x16xf32, #tpu.memory_space<hbm>>
      %dma_wait3A_143 = arith.constant 0 : i32
      %dma_wait3A_144 = tpu.memref_slice %arg11[%mul3A_131, %dma_wait3A_143] : memref<100352x16xf32, #tpu.memory_space<vmem_shared>> -> memref<6272x16xf32, #tpu.memory_space<vmem_shared>>
      tpu.wait_dma2 semaphore(%run_scoped3A : memref<!tpu.dma_semaphore, #tpu.memory_space<semaphore_mem>>) src(%dma_wait3A_144 : memref<6272x16xf32, #tpu.memory_space<vmem_shared>>) dst(%dma_wait3A_142 : memref<6272x16xf32, #tpu.memory_space<hbm>>)
      tpu.yield
    }) : () -> ()
    return
  }
}

#map = affine_map<(d0, d1) -> (0, 0)>
#map1 = affine_map<(d0, d1) -> (0)>
module attributes {stable_mosaic.version = 14 : i64} {
  func.func @_sc_deg(%arg0: i32, %arg1: i32, %arg2: memref<2x1600000xi32, #tpu.memory_space<hbm>>, %arg3: memref<200704xf32, #tpu.memory_space<hbm>>, %arg4: memref<2x2000xi32, #tpu.memory_space<vmem>>, %arg5: memref<2000xf32, #tpu.memory_space<vmem>>, %arg6: memref<3136xf32, #tpu.memory_space<vmem>>, %arg7: memref<!tpu.dma_semaphore, #tpu.memory_space<semaphore_mem>>, %arg8: memref<100352xf32, #tpu.memory_space<vmem_shared>>) attributes {dimension_semantics = [#tpu.dimension_semantics<core_parallel>, #tpu.dimension_semantics<subcore_parallel>], iteration_bounds = array<i64: 2, 16>, scalar_prefetch = 0 : i64, scratch_operands = 5 : i64, tpu.core_type = #tpu.core_type<sc_vector_subcore>, window_params = [{transform_indices = #map}, {transform_indices = #map1}]} {
    %mul3A = arith.constant 2 : i32
    %mul3A_0 = arith.muli %arg1, %mul3A : i32
    %add3A = arith.addi %mul3A_0, %arg0 : i32
    %scan3A = arith.constant 0 : i32
    %scan3A_1 = arith.constant 125 : i32
    %scan3A_2 = arith.addi %scan3A, %scan3A_1 : i32
    %scan3A_3 = arith.constant 1 : i32
    scf.for %scan3A_43 = %scan3A to %scan3A_2 step %scan3A_3  : i32 {
      %mul3A_44 = arith.constant 1 : i32
      %mul3A_45 = arith.muli %scan3A_43, %mul3A_44 : i32
      %add3A_46 = arith.constant 0 : i32
      %add3A_47 = arith.addi %add3A_46, %mul3A_45 : i32
      %broadcast_in_dim3A = arith.constant 1.000000e+00 : f32
      %broadcast_in_dim3A_48 = vector.broadcast %broadcast_in_dim3A : f32 to vector<16xf32>
      %mul3A_49 = arith.constant 16 : i32
      %mul3A_50 = arith.muli %add3A_47, %mul3A_49 : i32
      %swap3A = arith.index_cast %mul3A_50 : i32 to index
      %swap3A_51 = tpu.vector_load %arg5[%swap3A] {strides = array<i32>} : memref<2000xf32, #tpu.memory_space<vmem>>, vector<16xf32>,
      tpu.vector_store %arg5[%swap3A], %broadcast_in_dim3A_48 {strides = array<i32>} : memref<2000xf32, #tpu.memory_space<vmem>>, vector<16xf32>,
    }
    %scan3A_4 = arith.constant 125 : i32
    %scan3A_5 = arith.constant 0 : i32
    %scan3A_6 = arith.constant 196 : i32
    %scan3A_7 = arith.addi %scan3A_5, %scan3A_6 : i32
    %scan3A_8 = arith.constant 1 : i32
    scf.for %scan3A_43 = %scan3A_5 to %scan3A_7 step %scan3A_8  : i32 {
      %mul3A_44 = arith.constant 1 : i32
      %mul3A_45 = arith.muli %scan3A_43, %mul3A_44 : i32
      %add3A_46 = arith.constant 0 : i32
      %add3A_47 = arith.addi %add3A_46, %mul3A_45 : i32
      %broadcast_in_dim3A = arith.constant 0.000000e+00 : f32
      %broadcast_in_dim3A_48 = vector.broadcast %broadcast_in_dim3A : f32 to vector<16xf32>
      %mul3A_49 = arith.constant 16 : i32
      %mul3A_50 = arith.muli %add3A_47, %mul3A_49 : i32
      %swap3A = arith.index_cast %mul3A_50 : i32 to index
      %swap3A_51 = tpu.vector_load %arg6[%swap3A] {strides = array<i32>} : memref<3136xf32, #tpu.memory_space<vmem>>, vector<16xf32>,
      tpu.vector_store %arg6[%swap3A], %broadcast_in_dim3A_48 {strides = array<i32>} : memref<3136xf32, #tpu.memory_space<vmem>>, vector<16xf32>,
    }
    %scan3A_9 = arith.constant 196 : i32
    %scan3A_10 = arith.constant 0 : i32
    %scan3A_11 = arith.constant 2 : i32
    %scan3A_12 = arith.addi %scan3A_10, %scan3A_11 : i32
    %scan3A_13 = arith.constant 1 : i32
    scf.for %scan3A_43 = %scan3A_10 to %scan3A_12 step %scan3A_13  : i32 {
      %mul3A_44 = arith.constant 1 : i32
      %mul3A_45 = arith.muli %scan3A_43, %mul3A_44 : i32
      %add3A_46 = arith.constant 0 : i32
      %add3A_47 = arith.addi %add3A_46, %mul3A_45 : i32
      %mul3A_48 = arith.constant 6272 : i32
      %mul3A_49 = arith.muli %arg1, %mul3A_48 : i32
      %mul3A_50 = arith.constant 3136 : i32
      %mul3A_51 = arith.muli %add3A_47, %mul3A_50 : i32
      %add3A_52 = arith.addi %mul3A_49, %mul3A_51 : i32
      "tpu.region"() ({
        %run_scoped3A = tpu.sem_alloc : memref<!tpu.dma_semaphore, #tpu.memory_space<semaphore_mem>>
        %dma_start3A_53 = tpu.memref_slice %arg8[%add3A_52] : memref<100352xf32, #tpu.memory_space<vmem_shared>> -> memref<3136xf32, #tpu.memory_space<vmem_shared>>
        %dma_start3A_54 = tpu.memref_slice %arg8[%add3A_52] : memref<100352xf32, #tpu.memory_space<vmem_shared>> -> memref<3136xf32, #tpu.memory_space<vmem_shared>>
        tpu.enqueue_dma source(%arg6 : memref<3136xf32, #tpu.memory_space<vmem>>) target(%dma_start3A_54 : memref<3136xf32, #tpu.memory_space<vmem_shared>>) target_semaphore(%run_scoped3A : memref<!tpu.dma_semaphore, #tpu.memory_space<semaphore_mem>>)
        %dma_wait3A = tpu.memref_slice %arg8[%add3A_52] : memref<100352xf32, #tpu.memory_space<vmem_shared>> -> memref<3136xf32, #tpu.memory_space<vmem_shared>>
        %dma_wait3A_55 = tpu.memref_slice %arg8[%add3A_52] : memref<100352xf32, #tpu.memory_space<vmem_shared>> -> memref<3136xf32, #tpu.memory_space<vmem_shared>>
        tpu.wait_dma2 semaphore(%run_scoped3A : memref<!tpu.dma_semaphore, #tpu.memory_space<semaphore_mem>>) src(%arg6 : memref<3136xf32, #tpu.memory_space<vmem>>) dst(%dma_wait3A_55 : memref<3136xf32, #tpu.memory_space<vmem_shared>>)
        tpu.yield
      }) : () -> ()
    }
    %scan3A_14 = arith.constant 2 : i32
    %barrier3A = arith.constant 0 : index
    tpu.barrier barrier_id(%barrier3A)
    %mul3A_15 = arith.constant 50000 : i32
    %mul3A_16 = arith.muli %add3A, %mul3A_15 : i32
    %add3A_17 = arith.constant 0 : i32
    %add3A_18 = arith.addi %mul3A_16, %add3A_17 : i32
    %dma_start3A = arith.constant 1 : i32
    %dma_start3A_19 = arith.constant 0 : i32
    %dma_start3A_20 = arith.constant 0 : i32
    %dma_start3A_21 = tpu.memref_slice %arg4[%dma_start3A_19, %dma_start3A_20] : memref<2x2000xi32, #tpu.memory_space<vmem>> -> memref<1x2000xi32, #tpu.memory_space<vmem>>
    %dma_start3A_22 = tpu.memref_squeeze %dma_start3A_21 : memref<1x2000xi32, #tpu.memory_space<vmem>> -> memref<2000xi32, #tpu.memory_space<vmem>>
    %dma_start3A_23 = tpu.memref_slice %arg2[%dma_start3A, %add3A_18] : memref<2x1600000xi32, #tpu.memory_space<hbm>> -> memref<1x2000xi32, #tpu.memory_space<hbm>>
    %dma_start3A_24 = tpu.memref_squeeze %dma_start3A_23 : memref<1x2000xi32, #tpu.memory_space<hbm>> -> memref<2000xi32, #tpu.memory_space<hbm>>
    %dma_start3A_25 = arith.constant 0 : i32
    %dma_start3A_26 = tpu.memref_slice %arg4[%dma_start3A_19, %dma_start3A_25] : memref<2x2000xi32, #tpu.memory_space<vmem>> -> memref<1x2000xi32, #tpu.memory_space<vmem>>
    %dma_start3A_27 = tpu.memref_squeeze %dma_start3A_26 : memref<1x2000xi32, #tpu.memory_space<vmem>> -> memref<2000xi32, #tpu.memory_space<vmem>>
    %dma_start3A_28 = tpu.memref_slice %arg2[%dma_start3A, %add3A_18] : memref<2x1600000xi32, #tpu.memory_space<hbm>> -> memref<1x2000xi32, #tpu.memory_space<hbm>>
    %dma_start3A_29 = tpu.memref_squeeze %dma_start3A_28 : memref<1x2000xi32, #tpu.memory_space<hbm>> -> memref<2000xi32, #tpu.memory_space<hbm>>
    tpu.enqueue_dma source(%dma_start3A_29 : memref<2000xi32, #tpu.memory_space<hbm>>) target(%dma_start3A_27 : memref<2000xi32, #tpu.memory_space<vmem>>) target_semaphore(%arg7 : memref<!tpu.dma_semaphore, #tpu.memory_space<semaphore_mem>>)
    %scan3A_30 = arith.constant 0 : i32
    %scan3A_31 = arith.constant 25 : i32
    %scan3A_32 = arith.addi %scan3A_30, %scan3A_31 : i32
    %scan3A_33 = arith.constant 1 : i32
    scf.for %scan3A_43 = %scan3A_30 to %scan3A_32 step %scan3A_33  : i32 {
      %mul3A_44 = arith.constant 1 : i32
      %mul3A_45 = arith.muli %scan3A_43, %mul3A_44 : i32
      %add3A_46 = arith.constant 0 : i32
      %add3A_47 = arith.addi %add3A_46, %mul3A_45 : i32
      %rem3A = arith.constant 2 : i32
      %rem3A_48 = arith.remsi %add3A_47, %rem3A : i32
      %dma_wait3A = arith.constant 1 : i32
      %dma_wait3A_49 = arith.constant 0 : i32
      %dma_wait3A_50 = tpu.memref_slice %arg4[%rem3A_48, %dma_wait3A_49] : memref<2x2000xi32, #tpu.memory_space<vmem>> -> memref<1x2000xi32, #tpu.memory_space<vmem>>
      %dma_wait3A_51 = tpu.memref_squeeze %dma_wait3A_50 : memref<1x2000xi32, #tpu.memory_space<vmem>> -> memref<2000xi32, #tpu.memory_space<vmem>>
      %dma_wait3A_52 = arith.constant 0 : i32
      %dma_wait3A_53 = tpu.memref_slice %arg2[%dma_wait3A, %dma_wait3A_52] : memref<2x1600000xi32, #tpu.memory_space<hbm>> -> memref<1x2000xi32, #tpu.memory_space<hbm>>
      %dma_wait3A_54 = tpu.memref_squeeze %dma_wait3A_53 : memref<1x2000xi32, #tpu.memory_space<hbm>> -> memref<2000xi32, #tpu.memory_space<hbm>>
      %dma_wait3A_55 = arith.constant 0 : i32
      %dma_wait3A_56 = tpu.memref_slice %arg4[%rem3A_48, %dma_wait3A_55] : memref<2x2000xi32, #tpu.memory_space<vmem>> -> memref<1x2000xi32, #tpu.memory_space<vmem>>
      %dma_wait3A_57 = tpu.memref_squeeze %dma_wait3A_56 : memref<1x2000xi32, #tpu.memory_space<vmem>> -> memref<2000xi32, #tpu.memory_space<vmem>>
      %dma_wait3A_58 = arith.constant 0 : i32
      %dma_wait3A_59 = tpu.memref_slice %arg2[%dma_wait3A, %dma_wait3A_58] : memref<2x1600000xi32, #tpu.memory_space<hbm>> -> memref<1x2000xi32, #tpu.memory_space<hbm>>
      %dma_wait3A_60 = tpu.memref_squeeze %dma_wait3A_59 : memref<1x2000xi32, #tpu.memory_space<hbm>> -> memref<2000xi32, #tpu.memory_space<hbm>>
      tpu.wait_dma2 semaphore(%arg7 : memref<!tpu.dma_semaphore, #tpu.memory_space<semaphore_mem>>) src(%dma_wait3A_60 : memref<2000xi32, #tpu.memory_space<hbm>>) dst(%dma_wait3A_57 : memref<2000xi32, #tpu.memory_space<vmem>>)
      %add3A_61 = arith.constant 1 : i32
      %add3A_62 = arith.addi %add3A_47, %add3A_61 : i32
      %lt3A = arith.constant 25 : i32
      %lt3A_63 = arith.cmpi slt, %add3A_62, %lt3A : i32
      %convert_element_type3A = arith.extui %lt3A_63 : i1 to i32
      %cond3A = arith.constant 0 : i32
      %cond3A_64 = arith.cmpi ne, %convert_element_type3A, %cond3A : i32
      scf.if %cond3A_64 {
        %add3A_65 = arith.constant 1 : i32
        %add3A_66 = arith.addi %add3A_47, %add3A_65 : i32
        %sub3A = arith.constant 1 : i32
        %sub3A_67 = arith.subi %sub3A, %rem3A_48 : i32
        %mul3A_68 = arith.constant 50000 : i32
        %mul3A_69 = arith.muli %add3A, %mul3A_68 : i32
        %mul3A_70 = arith.constant 2000 : i32
        %mul3A_71 = arith.muli %add3A_66, %mul3A_70 : i32
        %add3A_72 = arith.addi %mul3A_69, %mul3A_71 : i32
        %dma_start3A_73 = arith.constant 1 : i32
        %dma_start3A_74 = arith.constant 0 : i32
        %dma_start3A_75 = tpu.memref_slice %arg4[%sub3A_67, %dma_start3A_74] : memref<2x2000xi32, #tpu.memory_space<vmem>> -> memref<1x2000xi32, #tpu.memory_space<vmem>>
        %dma_start3A_76 = tpu.memref_squeeze %dma_start3A_75 : memref<1x2000xi32, #tpu.memory_space<vmem>> -> memref<2000xi32, #tpu.memory_space<vmem>>
        %dma_start3A_77 = tpu.memref_slice %arg2[%dma_start3A_73, %add3A_72] : memref<2x1600000xi32, #tpu.memory_space<hbm>> -> memref<1x2000xi32, #tpu.memory_space<hbm>>
        %dma_start3A_78 = tpu.memref_squeeze %dma_start3A_77 : memref<1x2000xi32, #tpu.memory_space<hbm>> -> memref<2000xi32, #tpu.memory_space<hbm>>
        %dma_start3A_79 = arith.constant 0 : i32
        %dma_start3A_80 = tpu.memref_slice %arg4[%sub3A_67, %dma_start3A_79] : memref<2x2000xi32, #tpu.memory_space<vmem>> -> memref<1x2000xi32, #tpu.memory_space<vmem>>
        %dma_start3A_81 = tpu.memref_squeeze %dma_start3A_80 : memref<1x2000xi32, #tpu.memory_space<vmem>> -> memref<2000xi32, #tpu.memory_space<vmem>>
        %dma_start3A_82 = tpu.memref_slice %arg2[%dma_start3A_73, %add3A_72] : memref<2x1600000xi32, #tpu.memory_space<hbm>> -> memref<1x2000xi32, #tpu.memory_space<hbm>>
        %dma_start3A_83 = tpu.memref_squeeze %dma_start3A_82 : memref<1x2000xi32, #tpu.memory_space<hbm>> -> memref<2000xi32, #tpu.memory_space<hbm>>
        tpu.enqueue_dma source(%dma_start3A_83 : memref<2000xi32, #tpu.memory_space<hbm>>) target(%dma_start3A_81 : memref<2000xi32, #tpu.memory_space<vmem>>) target_semaphore(%arg7 : memref<!tpu.dma_semaphore, #tpu.memory_space<semaphore_mem>>)
      } else {
      }
      "tpu.region"() ({
        %run_scoped3A = tpu.sem_alloc : memref<!tpu.dma_semaphore, #tpu.memory_space<semaphore_mem>>
        %dma_start3A_65 = arith.constant 0 : i32
        %dma_start3A_66 = tpu.memref_slice %arg4[%rem3A_48, %dma_start3A_65] : memref<2x2000xi32, #tpu.memory_space<vmem>> -> memref<1x2000xi32, #tpu.memory_space<vmem>>
        %dma_start3A_67 = tpu.memref_squeeze %dma_start3A_66 : memref<1x2000xi32, #tpu.memory_space<vmem>> -> memref<2000xi32, #tpu.memory_space<vmem>>
        %dma_start3A_68 = arith.constant 0 : i32
        %dma_start3A_69 = tpu.memref_slice %arg8[%dma_start3A_68] : memref<100352xf32, #tpu.memory_space<vmem_shared>> -> memref<100352xf32, #tpu.memory_space<vmem_shared>>
        tpu.enqueue_indirect_dma source(%arg5 : memref<2000xf32, #tpu.memory_space<vmem>>) target(%dma_start3A_69 : memref<100352xf32, #tpu.memory_space<vmem_shared>>) offsets(%dma_start3A_67 : memref<2000xi32, #tpu.memory_space<vmem>>) semaphore(%run_scoped3A : memref<!tpu.dma_semaphore, #tpu.memory_space<semaphore_mem>>) {add = true}
        %dma_wait3A_70 = arith.constant 0 : i32
        %dma_wait3A_71 = tpu.memref_slice %arg4[%rem3A_48, %dma_wait3A_70] : memref<2x2000xi32, #tpu.memory_space<vmem>> -> memref<1x2000xi32, #tpu.memory_space<vmem>>
        %dma_wait3A_72 = tpu.memref_squeeze %dma_wait3A_71 : memref<1x2000xi32, #tpu.memory_space<vmem>> -> memref<2000xi32, #tpu.memory_space<vmem>>
        %dma_wait3A_73 = arith.constant 0 : i32
        %dma_wait3A_74 = tpu.memref_slice %arg8[%dma_wait3A_73] : memref<100352xf32, #tpu.memory_space<vmem_shared>> -> memref<100352xf32, #tpu.memory_space<vmem_shared>>
        tpu.wait_indirect_dma semaphore(%run_scoped3A : memref<!tpu.dma_semaphore, #tpu.memory_space<semaphore_mem>>) src(%arg5 : memref<2000xf32, #tpu.memory_space<vmem>>) dst(%dma_wait3A_74 : memref<100352xf32, #tpu.memory_space<vmem_shared>>)
        tpu.yield
      }) : () -> ()
    }
    %scan3A_34 = arith.constant 25 : i32
    %barrier3A_35 = arith.constant 0 : index
    tpu.barrier barrier_id(%barrier3A_35)
    %mul3A_36 = arith.constant 6272 : i32
    %mul3A_37 = arith.muli %arg1, %mul3A_36 : i32
    %mul3A_38 = arith.constant 100352 : i32
    %mul3A_39 = arith.muli %arg0, %mul3A_38 : i32
    %mul3A_40 = arith.constant 6272 : i32
    %mul3A_41 = arith.muli %arg1, %mul3A_40 : i32
    %add3A_42 = arith.addi %mul3A_39, %mul3A_41 : i32
    "tpu.region"() ({
      %run_scoped3A = tpu.sem_alloc : memref<!tpu.dma_semaphore, #tpu.memory_space<semaphore_mem>>
      %dma_start3A_43 = tpu.memref_slice %arg3[%add3A_42] : memref<200704xf32, #tpu.memory_space<hbm>> -> memref<6272xf32, #tpu.memory_space<hbm>>
      %dma_start3A_44 = tpu.memref_slice %arg8[%mul3A_37] : memref<100352xf32, #tpu.memory_space<vmem_shared>> -> memref<6272xf32, #tpu.memory_space<vmem_shared>>
      tpu.enqueue_dma source(%dma_start3A_44 : memref<6272xf32, #tpu.memory_space<vmem_shared>>) target(%dma_start3A_43 : memref<6272xf32, #tpu.memory_space<hbm>>) target_semaphore(%run_scoped3A : memref<!tpu.dma_semaphore, #tpu.memory_space<semaphore_mem>>)
      %dma_wait3A = tpu.memref_slice %arg3[%add3A_42] : memref<200704xf32, #tpu.memory_space<hbm>> -> memref<6272xf32, #tpu.memory_space<hbm>>
      %dma_wait3A_45 = tpu.memref_slice %arg8[%mul3A_37] : memref<100352xf32, #tpu.memory_space<vmem_shared>> -> memref<6272xf32, #tpu.memory_space<vmem_shared>>
      tpu.wait_dma2 semaphore(%run_scoped3A : memref<!tpu.dma_semaphore, #tpu.memory_space<semaphore_mem>>) src(%dma_wait3A_45 : memref<6272xf32, #tpu.memory_space<vmem_shared>>) dst(%dma_wait3A : memref<6272xf32, #tpu.memory_space<hbm>>)
      tpu.yield
    }) : () -> ()
    return
  }
}

module attributes {stable_mosaic.version = 14 : i64} {
  func.func @_tc1_body(%arg0: i32, %arg1: memref<7168x32xf32, #tpu.memory_space<vmem>>, %arg2: memref<32x32xf32, #tpu.memory_space<vmem>>, %arg3: memref<7168xf32, #tpu.memory_space<vmem>>, %arg4: memref<7168xf32, #tpu.memory_space<vmem>>, %arg5: memref<7168x16xf32, #tpu.memory_space<vmem>>, %arg6: memref<7168x16xf32, #tpu.memory_space<vmem>>, %arg7: memref<7168xf32, #tpu.memory_space<vmem>>) attributes {dimension_semantics = [#tpu.dimension_semantics<arbitrary>], iteration_bounds = array<i64: 14>, scalar_prefetch = 0 : i64, scratch_operands = 0 : i64, tpu.core_type = #tpu.core_type<tc>, window_params = [{transform_indices = @transform_0, window_bounds = array<i64: 7168, 32>}, {pipeline_mode = #tpu.pipeline_mode<synchronous>, transform_indices = @transform_1, window_bounds = array<i64: 32, 32>}, {transform_indices = @transform_2, window_bounds = array<i64: 7168>}, {transform_indices = @transform_3, window_bounds = array<i64: 7168>}, {transform_indices = @transform_4, window_bounds = array<i64: 7168, 16>}, {transform_indices = @transform_5, window_bounds = array<i64: 7168, 16>}, {transform_indices = @transform_6, window_bounds = array<i64: 7168>}]} {
    %get3A = arith.constant 0 : index
    %get3A_0 = vector.load %arg3[%get3A] : memref<7168xf32, #tpu.memory_space<vmem>>, vector<7168xf32>
    %get3A_1 = arith.constant 0 : index
    %get3A_2 = vector.load %arg4[%get3A_1] : memref<7168xf32, #tpu.memory_space<vmem>>, vector<7168xf32>
    %add3A = arith.addf %get3A_0, %get3A_2 : vector<7168xf32>
    %add3A_3 = arith.constant 1.000000e+00 : f32
    %add3A_4 = vector.broadcast %add3A_3 : f32 to vector<7168xf32>
    %add3A_5 = arith.addf %add3A, %add3A_4 : vector<7168xf32>
    %rsqrt3A = math.rsqrt %add3A_5 : vector<7168xf32>
    %get3A_6 = arith.constant 0 : index
    %get3A_7 = arith.constant 0 : index
    %get3A_8 = vector.load %arg1[%get3A_6, %get3A_7] : memref<7168x32xf32, #tpu.memory_space<vmem>>, vector<7168x32xf32>
    %get3A_9 = arith.constant 0 : index
    %get3A_10 = arith.constant 0 : index
    %get3A_11 = vector.load %arg2[%get3A_9, %get3A_10] : memref<32x32xf32, #tpu.memory_space<vmem>>, vector<32x32xf32>
    %dot_general3A = arith.constant dense<0.000000e+00> : vector<7168x32xf32>
    %dot_general3A_12 = tpu.matmul %get3A_8, %get3A_11, %dot_general3A {dimension_numbers = #tpu.dot_dimension_numbers<[1], [0], [0], [1], [0, 0, 1, 1], [], []>, transpose_lhs_hint = false} : vector<7168x32xf32>, vector<32x32xf32>, vector<7168x32xf32> -> vector<7168x32xf32>
    %broadcast_in_dim3A = vector.shape_cast %rsqrt3A : vector<7168xf32> to vector<7168x1xf32>
    %mul3A = vector.broadcast %broadcast_in_dim3A : vector<7168x1xf32> to vector<7168x32xf32>
    %mul3A_13 = arith.mulf %dot_general3A_12, %mul3A : vector<7168x32xf32>
    %slice3A = vector.extract_strided_slice %mul3A_13 {offsets = [0, 0], sizes = [7168, 16], strides = [1, 1]} : vector<7168x32xf32> to vector<7168x16xf32>
    %swap3A = arith.constant 0 : index
    %swap3A_14 = arith.constant 0 : index
    %swap3A_15 = vector.load %arg5[%swap3A, %swap3A_14] : memref<7168x16xf32, #tpu.memory_space<vmem>>, vector<7168x16xf32>
    tpu.vector_store %arg5[%swap3A, %swap3A_14], %slice3A {strides = array<i32>} : memref<7168x16xf32, #tpu.memory_space<vmem>>, vector<7168x16xf32>,
    %slice3A_16 = vector.extract_strided_slice %mul3A_13 {offsets = [0, 16], sizes = [7168, 16], strides = [1, 1]} : vector<7168x32xf32> to vector<7168x16xf32>
    %swap3A_17 = arith.constant 0 : index
    %swap3A_18 = arith.constant 0 : index
    %swap3A_19 = vector.load %arg6[%swap3A_17, %swap3A_18] : memref<7168x16xf32, #tpu.memory_space<vmem>>, vector<7168x16xf32>
    tpu.vector_store %arg6[%swap3A_17, %swap3A_18], %slice3A_16 {strides = array<i32>} : memref<7168x16xf32, #tpu.memory_space<vmem>>, vector<7168x16xf32>,
    %swap3A_20 = arith.constant 0 : index
    %swap3A_21 = vector.load %arg7[%swap3A_20] : memref<7168xf32, #tpu.memory_space<vmem>>, vector<7168xf32>
    tpu.vector_store %arg7[%swap3A_20], %rsqrt3A {strides = array<i32>} : memref<7168xf32, #tpu.memory_space<vmem>>, vector<7168xf32>,
    return
  }
  func.func @transform_0(%arg0: i32) -> (i32, i32) {
    %c0_i32 = arith.constant 0 : i32
    %c0_i32_0 = arith.constant 0 : i32
    return %arg0, %c0_i32 : i32, i32
  }
  func.func @transform_1(%arg0: i32) -> (i32, i32) {
    %c0_i32 = arith.constant 0 : i32
    %c0_i32_0 = arith.constant 0 : i32
    %c0_i32_1 = arith.constant 0 : i32
    return %c0_i32, %c0_i32_0 : i32, i32
  }
  func.func @transform_2(%arg0: i32) -> i32 {
    %c0_i32 = arith.constant 0 : i32
    return %arg0 : i32
  }
  func.func @transform_3(%arg0: i32) -> i32 {
    %add3A = arith.constant 14 : i32
    %add3A_0 = arith.addi %arg0, %add3A : i32
    %c0_i32 = arith.constant 0 : i32
    return %add3A_0 : i32
  }
  func.func @transform_4(%arg0: i32) -> (i32, i32) {
    %c0_i32 = arith.constant 0 : i32
    %c0_i32_0 = arith.constant 0 : i32
    return %arg0, %c0_i32 : i32, i32
  }
  func.func @transform_5(%arg0: i32) -> (i32, i32) {
    %c0_i32 = arith.constant 0 : i32
    %c0_i32_0 = arith.constant 0 : i32
    return %arg0, %c0_i32 : i32, i32
  }
  func.func @transform_6(%arg0: i32) -> i32 {
    %c0_i32 = arith.constant 0 : i32
    return %arg0 : i32
  }
}

module attributes {stable_mosaic.version = 14 : i64} {
  func.func @_tc2_body(%arg0: i32, %arg1: memref<7168x16xf32, #tpu.memory_space<vmem>>, %arg2: memref<7168x16xf32, #tpu.memory_space<vmem>>, %arg3: memref<7168x16xf32, #tpu.memory_space<vmem>>, %arg4: memref<7168x16xf32, #tpu.memory_space<vmem>>, %arg5: memref<7168xf32, #tpu.memory_space<vmem>>, %arg6: memref<1x16xf32, #tpu.memory_space<vmem>>, %arg7: memref<1x16xf32, #tpu.memory_space<vmem>>, %arg8: memref<16x1xf32, #tpu.memory_space<vmem>>, %arg9: memref<16x1xf32, #tpu.memory_space<vmem>>, %arg10: memref<1x7168xf32, #tpu.memory_space<vmem>>) attributes {dimension_semantics = [#tpu.dimension_semantics<arbitrary>], iteration_bounds = array<i64: 14>, scalar_prefetch = 0 : i64, scratch_operands = 0 : i64, tpu.core_type = #tpu.core_type<tc>, window_params = [{transform_indices = @transform_0, window_bounds = array<i64: 7168, 16>}, {transform_indices = @transform_1, window_bounds = array<i64: 7168, 16>}, {transform_indices = @transform_2, window_bounds = array<i64: 7168, 16>}, {transform_indices = @transform_3, window_bounds = array<i64: 7168, 16>}, {transform_indices = @transform_4, window_bounds = array<i64: 7168>}, {pipeline_mode = #tpu.pipeline_mode<synchronous>, transform_indices = @transform_5, window_bounds = array<i64: 1, 16>}, {pipeline_mode = #tpu.pipeline_mode<synchronous>, transform_indices = @transform_6, window_bounds = array<i64: 1, 16>}, {pipeline_mode = #tpu.pipeline_mode<synchronous>, transform_indices = @transform_7, window_bounds = array<i64: 16, 1>}, {pipeline_mode = #tpu.pipeline_mode<synchronous>, transform_indices = @transform_8, window_bounds = array<i64: 16, 1>}, {transform_indices = @transform_9, window_bounds = array<i64: 1, 7168>}]} {
    %get3A = arith.constant 0 : index
    %get3A_0 = vector.load %arg5[%get3A] : memref<7168xf32, #tpu.memory_space<vmem>>, vector<7168xf32>
    %broadcast_in_dim3A = vector.shape_cast %get3A_0 : vector<7168xf32> to vector<7168x1xf32>
    %get3A_1 = arith.constant 0 : index
    %get3A_2 = arith.constant 0 : index
    %get3A_3 = vector.load %arg1[%get3A_1, %get3A_2] : memref<7168x16xf32, #tpu.memory_space<vmem>>, vector<7168x16xf32>
    %get3A_4 = arith.constant 0 : index
    %get3A_5 = arith.constant 0 : index
    %get3A_6 = vector.load %arg3[%get3A_4, %get3A_5] : memref<7168x16xf32, #tpu.memory_space<vmem>>, vector<7168x16xf32>
    %add3A = arith.addf %get3A_3, %get3A_6 : vector<7168x16xf32>
    %mul3A = vector.broadcast %broadcast_in_dim3A : vector<7168x1xf32> to vector<7168x16xf32>
    %mul3A_7 = arith.mulf %mul3A, %add3A : vector<7168x16xf32>
    %get3A_8 = arith.constant 0 : index
    %get3A_9 = arith.constant 0 : index
    %get3A_10 = vector.load %arg6[%get3A_8, %get3A_9] : memref<1x16xf32, #tpu.memory_space<vmem>>, vector<1x16xf32>
    %add3A_11 = vector.broadcast %get3A_10 : vector<1x16xf32> to vector<7168x16xf32>
    %add3A_12 = arith.addf %mul3A_7, %add3A_11 : vector<7168x16xf32>
    %max3A = arith.constant 0.000000e+00 : f32
    %max3A_13 = vector.broadcast %max3A : f32 to vector<7168x16xf32>
    %max3A_14 = arith.maximumf %add3A_12, %max3A_13 : vector<7168x16xf32>
    %get3A_15 = arith.constant 0 : index
    %get3A_16 = arith.constant 0 : index
    %get3A_17 = vector.load %arg2[%get3A_15, %get3A_16] : memref<7168x16xf32, #tpu.memory_space<vmem>>, vector<7168x16xf32>
    %get3A_18 = arith.constant 0 : index
    %get3A_19 = arith.constant 0 : index
    %get3A_20 = vector.load %arg4[%get3A_18, %get3A_19] : memref<7168x16xf32, #tpu.memory_space<vmem>>, vector<7168x16xf32>
    %add3A_21 = arith.addf %get3A_17, %get3A_20 : vector<7168x16xf32>
    %mul3A_22 = vector.broadcast %broadcast_in_dim3A : vector<7168x1xf32> to vector<7168x16xf32>
    %mul3A_23 = arith.mulf %mul3A_22, %add3A_21 : vector<7168x16xf32>
    %get3A_24 = arith.constant 0 : index
    %get3A_25 = arith.constant 0 : index
    %get3A_26 = vector.load %arg7[%get3A_24, %get3A_25] : memref<1x16xf32, #tpu.memory_space<vmem>>, vector<1x16xf32>
    %add3A_27 = vector.broadcast %get3A_26 : vector<1x16xf32> to vector<7168x16xf32>
    %add3A_28 = arith.addf %mul3A_23, %add3A_27 : vector<7168x16xf32>
    %max3A_29 = arith.constant 0.000000e+00 : f32
    %max3A_30 = vector.broadcast %max3A_29 : f32 to vector<7168x16xf32>
    %max3A_31 = arith.maximumf %add3A_28, %max3A_30 : vector<7168x16xf32>
    %get3A_32 = arith.constant 0 : index
    %get3A_33 = arith.constant 0 : index
    %get3A_34 = vector.load %arg8[%get3A_32, %get3A_33] : memref<16x1xf32, #tpu.memory_space<vmem>>, vector<16x1xf32>
    %dot_general3A = arith.constant dense<0.000000e+00> : vector<7168x1xf32>
    %dot_general3A_35 = tpu.matmul %max3A_14, %get3A_34, %dot_general3A {dimension_numbers = #tpu.dot_dimension_numbers<[1], [0], [0], [1], [0, 0, 1, 1], [], []>, transpose_lhs_hint = false} : vector<7168x16xf32>, vector<16x1xf32>, vector<7168x1xf32> -> vector<7168x1xf32>
    %get3A_36 = arith.constant 0 : index
    %get3A_37 = arith.constant 0 : index
    %get3A_38 = vector.load %arg9[%get3A_36, %get3A_37] : memref<16x1xf32, #tpu.memory_space<vmem>>, vector<16x1xf32>
    %dot_general3A_39 = arith.constant dense<0.000000e+00> : vector<7168x1xf32>
    %dot_general3A_40 = tpu.matmul %max3A_31, %get3A_38, %dot_general3A_39 {dimension_numbers = #tpu.dot_dimension_numbers<[1], [0], [0], [1], [0, 0, 1, 1], [], []>, transpose_lhs_hint = false} : vector<7168x16xf32>, vector<16x1xf32>, vector<7168x1xf32> -> vector<7168x1xf32>
    %add3A_41 = arith.addf %dot_general3A_35, %dot_general3A_40 : vector<7168x1xf32>
    %transpose3A = tpu.transpose %add3A_41, [1, 0] : vector<7168x1xf32> -> vector<1x7168xf32>
    %get3A_42 = arith.constant 0 : index
    %get3A_43 = vector.load %arg5[%get3A_42] : memref<7168xf32, #tpu.memory_space<vmem>>, vector<7168xf32>
    %broadcast_in_dim3A_44 = vector.shape_cast %get3A_43 : vector<7168xf32> to vector<1x7168xf32>
    %mul3A_45 = arith.mulf %transpose3A, %broadcast_in_dim3A_44 : vector<1x7168xf32>
    %swap3A = arith.constant 0 : index
    %swap3A_46 = arith.constant 0 : index
    %swap3A_47 = vector.load %arg10[%swap3A, %swap3A_46] : memref<1x7168xf32, #tpu.memory_space<vmem>>, vector<1x7168xf32>
    tpu.vector_store %arg10[%swap3A, %swap3A_46], %mul3A_45 {strides = array<i32>} : memref<1x7168xf32, #tpu.memory_space<vmem>>, vector<1x7168xf32>,
    return
  }
  func.func @transform_0(%arg0: i32) -> (i32, i32) {
    %c0_i32 = arith.constant 0 : i32
    %c0_i32_0 = arith.constant 0 : i32
    return %arg0, %c0_i32 : i32, i32
  }
  func.func @transform_1(%arg0: i32) -> (i32, i32) {
    %add3A = arith.constant 14 : i32
    %add3A_0 = arith.addi %arg0, %add3A : i32
    %c0_i32 = arith.constant 0 : i32
    %c0_i32_1 = arith.constant 0 : i32
    return %add3A_0, %c0_i32 : i32, i32
  }
  func.func @transform_2(%arg0: i32) -> (i32, i32) {
    %c0_i32 = arith.constant 0 : i32
    %c0_i32_0 = arith.constant 0 : i32
    return %arg0, %c0_i32 : i32, i32
  }
  func.func @transform_3(%arg0: i32) -> (i32, i32) {
    %c0_i32 = arith.constant 0 : i32
    %c0_i32_0 = arith.constant 0 : i32
    return %arg0, %c0_i32 : i32, i32
  }
  func.func @transform_4(%arg0: i32) -> i32 {
    %c0_i32 = arith.constant 0 : i32
    return %arg0 : i32
  }
  func.func @transform_5(%arg0: i32) -> (i32, i32) {
    %c0_i32 = arith.constant 0 : i32
    %c0_i32_0 = arith.constant 0 : i32
    %c0_i32_1 = arith.constant 0 : i32
    return %c0_i32, %c0_i32_0 : i32, i32
  }
  func.func @transform_6(%arg0: i32) -> (i32, i32) {
    %c0_i32 = arith.constant 0 : i32
    %c0_i32_0 = arith.constant 0 : i32
    %c0_i32_1 = arith.constant 0 : i32
    return %c0_i32, %c0_i32_0 : i32, i32
  }
  func.func @transform_7(%arg0: i32) -> (i32, i32) {
    %c0_i32 = arith.constant 0 : i32
    %c0_i32_0 = arith.constant 0 : i32
    %c0_i32_1 = arith.constant 0 : i32
    return %c0_i32, %c0_i32_0 : i32, i32
  }
  func.func @transform_8(%arg0: i32) -> (i32, i32) {
    %c0_i32 = arith.constant 0 : i32
    %c0_i32_0 = arith.constant 0 : i32
    %c0_i32_1 = arith.constant 0 : i32
    return %c0_i32, %c0_i32_0 : i32, i32
  }
  func.func @transform_9(%arg0: i32) -> (i32, i32) {
    %c0_i32 = arith.constant 0 : i32
    %c0_i32_0 = arith.constant 0 : i32
    return %c0_i32, %arg0 : i32, i32
  }
}

module attributes {stable_mosaic.version = 14 : i64} {
  func.func @_tc3_body(%arg0: i32, %arg1: memref<7168xf32, #tpu.memory_space<vmem>>, %arg2: memref<7168xf32, #tpu.memory_space<vmem>>, %arg3: memref<1x7168xf32, #tpu.memory_space<vmem>>, %arg4: memref<7168xf32, #tpu.memory_space<vmem>>, %arg5: memref<1xf32, #tpu.memory_space<vmem>>, %arg6: memref<7168xf32, #tpu.memory_space<vmem>>) attributes {dimension_semantics = [#tpu.dimension_semantics<arbitrary>], iteration_bounds = array<i64: 14>, scalar_prefetch = 0 : i64, scratch_operands = 0 : i64, tpu.core_type = #tpu.core_type<tc>, window_params = [{transform_indices = @transform_0, window_bounds = array<i64: 7168>}, {transform_indices = @transform_1, window_bounds = array<i64: 7168>}, {transform_indices = @transform_2, window_bounds = array<i64: 1, 7168>}, {transform_indices = @transform_3, window_bounds = array<i64: 7168>}, {pipeline_mode = #tpu.pipeline_mode<synchronous>, transform_indices = @transform_4, window_bounds = array<i64: 1>}, {transform_indices = @transform_5, window_bounds = array<i64: 7168>}]} {
    %get3A = arith.constant 0 : index
    %get3A_0 = vector.load %arg4[%get3A] : memref<7168xf32, #tpu.memory_space<vmem>>, vector<7168xf32>
    %get3A_1 = arith.constant 0 : index
    %get3A_2 = vector.load %arg1[%get3A_1] : memref<7168xf32, #tpu.memory_space<vmem>>, vector<7168xf32>
    %get3A_3 = arith.constant 0 : index
    %get3A_4 = vector.load %arg2[%get3A_3] : memref<7168xf32, #tpu.memory_space<vmem>>, vector<7168xf32>
    %add3A = arith.addf %get3A_2, %get3A_4 : vector<7168xf32>
    %get3A_5 = arith.constant 0 : index
    %get3A_6 = arith.constant 0 : index
    %get3A_7 = vector.load %arg3[%get3A_5, %get3A_6] : memref<1x7168xf32, #tpu.memory_space<vmem>>, vector<1x7168xf32>
    %squeeze3A = vector.shape_cast %get3A_7 : vector<1x7168xf32> to vector<7168xf32>
    %add3A_8 = arith.addf %add3A, %squeeze3A : vector<7168xf32>
    %mul3A = arith.mulf %get3A_0, %add3A_8 : vector<7168xf32>
    %get3A_9 = arith.constant 0 : index
    %get3A_10 = vector.load %arg5[%get3A_9] : memref<1xf32, #tpu.memory_space<vmem>>, vector<1xf32>
    %get3A_11 = vector.extract %get3A_10[0] : f32 from vector<1xf32>
    %add3A_12 = vector.broadcast %get3A_11 : f32 to vector<7168xf32>
    %add3A_13 = arith.addf %mul3A, %add3A_12 : vector<7168xf32>
    %logistic3A = arith.negf %add3A_13 : vector<7168xf32>
    %logistic3A_14 = math.exp %logistic3A : vector<7168xf32>
    %logistic3A_15 = arith.constant 1.000000e+00 : f32
    %logistic3A_16 = vector.broadcast %logistic3A_15 : f32 to vector<7168xf32>
    %logistic3A_17 = arith.addf %logistic3A_16, %logistic3A_14 : vector<7168xf32>
    %logistic3A_18 = arith.divf %logistic3A_16, %logistic3A_17 : vector<7168xf32>
    %swap3A = arith.constant 0 : index
    %swap3A_19 = vector.load %arg6[%swap3A] : memref<7168xf32, #tpu.memory_space<vmem>>, vector<7168xf32>
    tpu.vector_store %arg6[%swap3A], %logistic3A_18 {strides = array<i32>} : memref<7168xf32, #tpu.memory_space<vmem>>, vector<7168xf32>,
    return
  }
  func.func @transform_0(%arg0: i32) -> i32 {
    %c0_i32 = arith.constant 0 : i32
    return %arg0 : i32
  }
  func.func @transform_1(%arg0: i32) -> i32 {
    %add3A = arith.constant 14 : i32
    %add3A_0 = arith.addi %arg0, %add3A : i32
    %c0_i32 = arith.constant 0 : i32
    return %add3A_0 : i32
  }
  func.func @transform_2(%arg0: i32) -> (i32, i32) {
    %c0_i32 = arith.constant 0 : i32
    %c0_i32_0 = arith.constant 0 : i32
    return %c0_i32, %arg0 : i32, i32
  }
  func.func @transform_3(%arg0: i32) -> i32 {
    %c0_i32 = arith.constant 0 : i32
    return %arg0 : i32
  }
  func.func @transform_4(%arg0: i32) -> i32 {
    %c0_i32 = arith.constant 0 : i32
    %c0_i32_0 = arith.constant 0 : i32
    return %c0_i32 : i32
  }
  func.func @transform_5(%arg0: i32) -> i32 {
    %c0_i32 = arith.constant 0 : i32
    return %arg0 : i32
  }
}

</mosaic_0001>

<sc_bundles>
// kernel: kernel.11.cloned.1.call-start
scs
__scs_entry_jumppad:
0x0: {  	(pc) =	sbr.rel $0x88, $3  }
0x1: {  	(tag) =	ssettag $0x0;
	lr =	simm.s32 $0x1  }
0x2: {  	[smem:$0x3F9B] =	sst lr;
	_ =	strace $0xD0000000  }
0x3: {  	_ = 	snop  }
0x4: {  	_ = 	snop  }
0x5: {  	_ = 	snop  }
0x6: {  	_ = 	snop  }
0x7: {  	_ = 	snop  }
__scs_overlays_trampoline_lowered:
0x8: {  	[smem:$0x3FAA] =	sst s0  }
0x9: {  	[smem:$0x3FAB] =	sst s1  }
0xa: {  	[smem:$0x3FAC] =	sst s2  }
0xb: {  	[smem:$0x3FAD] =	sst s3  }
0xc: {  	[smem:$0x3FAE] =	sst s4  }
0xd: {  	[smem:$0x3FAF] =	sst s5  }
0xe: {  	[smem:$0x3FB0] =	sst s6  }
0xf: {  	[smem:$0x3FB1] =	sst s7  }
0x10: {  	[smem:$0x3FB2] =	sst s8  }
0x11: {  	[smem:$0x3FB3] =	sst s9;
	s0 =	simm.s32 @!p0 $0x0  }
0x12: {  	s1 =	sld [smem:$0x3F99];
	s0 =	simm.s32 @p0 $0x1  }
0x13: {  	[smem:$0x3FB4] =	sst s0;
	s0 =	simm.s32 @!p1 $0x0  }
0x14: {  	s2 =	sld [smem:$0x3F98];
	s0 =	simm.s32 @p1 $0x1  }
0x15: {  	[smem:$0x3FB5] =	sst s0;
	s0 =	simm.s32 @!p2 $0x0  }
0x16: {  	s3 =	sld [smem:$0x3FDB];
	s0 =	simm.s32 @p2 $0x1  }
0x17: {  	s4 =	simm.s32 $0x1BF5;
	[smem:$0x3FB7] =	sst s0  }
0x18: {  	s0 =	sld [smem:$0x3F9A];
	_ =	swait.ge [sflag:s4], $0x0  }
0x19: {  	s7 =	sld [smem:$0x3F9B]  }
0x1a: {  	s8 =	sadd.s32 $0xFFFFE003, lr  }
0x1b: {  	s9 =	sadd.s32 $0xFFFFFEF7, lr;
	s5 =	simm.s32 $0xFFFFFFFF;
	p2 =	slt.u32 s8, $0xFFFFF086  }
0x1c: {  	p1 =	slt.u32 s9, $0xF7A;
	s5 =	simm.s32 @!p2 $0x0  }
0x1d: {  	s5 =	simm.s32 @p1 $0x1;
	p0 =	seq.s32 s7, s2  }
0x1e: {  	s7 =	smul.u32 @!p0 $0xF7A, s2;
	p2 =	seq.s32 @!p0 s5, $0x0  }
0x1f: {  	s9 =	smul.u32 $0xF7A, s1;
	s8 =	simm.s32 @!p0 $0x1BF5;
	p2 =	por !p2, p0  }
0x20: {  	[sflag:s8] =	ssyncset.s32 @!p0 $0xFFFFF086;
	s6 =	sadd.s32 @!p0 s3, s7;
	s7 =	simm.s32 @!p0 $0x108  }
0x21: {  	s3 =	sadd.s32 s3, s9;
	s6 =	sadd.s32 @!p0 $0x88, s6;
	s7 =	simm.s32 @p2 $0x1082  }
0x22: {  	[simem:s7], [sflag:s8] =	dma.local @!p0 [hbm:s6], $0xF7A  }
0x23: {  	s9 =	sor.u32 $0xD0000000, s2;
	s6 =	simm.s32 $0x108;
	_ =	swait.ge @!p0 [sflag:s8], $0x0  }
0x24: {  	s3 =	sadd.s32 $0x88, s3;
	s6 =	simm.s32 @!p1 $0x1082;
	[sflag:s4] =	ssyncset.s32 $0xFFFFF086  }
0x25: {  	[simem:s6], [sflag:s4] =	dma.local [hbm:s3], $0xF7A  }
0x26: {  	[smem:$0x3F9B] =	sst s1;
	(tag) =	ssettag s2;
	_ =	strace s9  }
0x27: {  	s1 =	sld [smem:$0x3FAB]  }
0x28: {  	s2 =	sld [smem:$0x3FAC]  }
0x29: {  	s4 =	sld [smem:$0x3FAE]  }
0x2a: {  	p0 =	seq.s32 s5, $0x0;
	s5 =	sld [smem:$0x3FAF]  }
0x2b: {  	s6 =	sld [smem:$0x3FB0]  }
0x2c: {  	s7 =	sld [smem:$0x3FB1]  }
0x2d: {  	s3 =	simm.s32 $0x108;
	s8 =	sld [smem:$0x3FB2]  }
0x2e: {  	s3 =	simm.s32 @!p0 $0x1082;
	s9 =	sld [smem:$0x3FB3]  }
0x2f: {  	lr =	sadd.s32 s0, s3;
	s0 =	sld [smem:$0x3FAA]  }
0x30: {  	s3 =	sld [smem:$0x3FAD]  }
0x31: {  	[smem:$0x3FB6] =	sst s10  }
0x32: {  	s10 =	sld [smem:$0x3FB4];
	_ =	sdelay $0x3  }
0x33: {  	p0 =	seq.s32 s10, $0x1;
	s10 =	sld [smem:$0x3FB6];
	_ =	sdelay $0x3  }
0x34: {  	[smem:$0x3FB6] =	sst s10  }
0x35: {  	s10 =	sld [smem:$0x3FB5];
	_ =	sdelay $0x3  }
0x36: {  	p1 =	seq.s32 s10, $0x1;
	s10 =	sld [smem:$0x3FB6];
	_ =	sdelay $0x3  }
0x37: {  	[smem:$0x3FB6] =	sst s10  }
0x38: {  	s10 =	sld [smem:$0x3FB7]  }
0x39: {  	_ = 	snop;
	(pc) =	sbr.ind lr, $3  }
0x3a: {  	_ = 	snop  }
0x3b: {  	_ = 	snop  }
0x3c: {  	p2 =	seq.s32 s10, $0x1;
	s10 =	sld [smem:$0x3FB6]  }
0x3d: {  	_ =	shalt  }
0x3e: {  	_ =	shalt  }
0x3f: {  	_ =	shalt  }
0x40: {  	_ =	shalt  }
0x41: {  	_ =	shalt  }
0x42: {  	_ =	shalt  }
0x43: {  	_ =	shalt  }
0x44: {  	_ =	shalt  }
0x45: {  	_ =	shalt  }
0x46: {  	_ =	shalt  }
0x47: {  	_ =	shalt  }
0x48: {  	_ =	shalt  }
0x49: {  	_ =	shalt  }
0x4a: {  	_ =	shalt  }
0x4b: {  	_ =	shalt  }
0x4c: {  	_ =	shalt  }
0x4d: {  	_ =	shalt  }
0x4e: {  	_ =	shalt  }
0x4f: {  	_ =	shalt  }
0x50: {  	_ =	shalt  }
0x51: {  	_ =	shalt  }
0x52: {  	_ =	shalt  }
0x53: {  	_ =	shalt  }
0x54: {  	_ =	shalt  }
0x55: {  	_ =	shalt  }
0x56: {  	_ =	shalt  }
0x57: {  	_ =	shalt  }
0x58: {  	_ =	shalt  }
0x59: {  	_ =	shalt  }
0x5a: {  	_ =	shalt  }
0x5b: {  	_ =	shalt  }
0x5c: {  	_ =	shalt  }
0x5d: {  	_ =	shalt  }
0x5e: {  	_ =	shalt  }
0x5f: {  	_ =	shalt  }
0x60: {  	_ =	shalt  }
0x61: {  	_ =	shalt  }
0x62: {  	_ =	shalt  }
0x63: {  	_ =	shalt  }
0x64: {  	_ =	shalt  }
0x65: {  	_ =	shalt  }
0x66: {  	_ =	shalt  }
0x67: {  	_ =	shalt  }
0x68: {  	_ =	shalt  }
0x69: {  	_ =	shalt  }
0x6a: {  	_ =	shalt  }
0x6b: {  	_ =	shalt  }
0x6c: {  	_ =	shalt  }
0x6d: {  	_ =	shalt  }
0x6e: {  	_ =	shalt  }
0x6f: {  	_ =	shalt  }
0x70: {  	_ =	shalt  }
0x71: {  	_ =	shalt  }
0x72: {  	_ =	shalt  }
0x73: {  	_ =	shalt  }
0x74: {  	_ =	shalt  }
0x75: {  	_ =	shalt  }
0x76: {  	_ =	shalt  }
0x77: {  	_ =	shalt  }
0x78: {  	_ =	shalt  }
0x79: {  	_ =	shalt  }
0x7a: {  	_ =	shalt  }
0x7b: {  	_ =	shalt  }
0x7c: {  	_ =	shalt  }
0x7d: {  	_ =	shalt  }
0x7e: {  	_ =	shalt  }
0x7f: {  	_ =	shalt  }
0x80: {  	_ =	shalt  }
0x81: {  	_ =	shalt  }
0x82: {  	_ =	shalt  }
0x83: {  	_ =	shalt  }
0x84: {  	_ =	shalt  }
0x85: {  	_ =	shalt  }
0x86: {  	_ =	shalt  }
0x87: {  	_ =	shalt  }
.Lfunc_end0:
.L_simem_size_0:
called_computation.1_lowered:
.L_overlay_start_0:
0x88: {  	s2 =	sld [smem:$0x3FD9]  }
0x89: {  	s3 =	sld [smem:$0x3FFE];
	_ =	sdelay $0x1  }
0x8a: {  	s1 =	srdreg.scid  }
0x8b: {  	s0 =	sand.u32 $0x1, s1  }
0x8c: {  	s16 =	sshll.u32 s0, $0xA;
	s2 =	sadd.s32 s3, s2  }
0x8d: {  	s2 =	sadd.s32 s2, s16  }
0x8e: {  	[smem:$0x3FC2] =	sst s2  }
0x8f: {  	_ = 	snop  }
0x90: {  	(tm) =	ssettm $0x1  }
0x91: {  	s17 =	sld [smem:$0x3FFB];
	_ =	sdelay $0x3  }
0x92: {  	_ =	strace s17  }
0x93: {  	s2 =	sld [smem:$0x3FFC];
	_ =	sdelay $0x3  }
0x94: {  	_ =	strace s2  }
0x95: {  	s2 =	sld [smem:$0x3FFD];
	_ =	sdelay $0x3  }
0x96: {  	_ =	strace s2  }
0x97: {  	_ =	strace $0x8FFFFFFF  }
0x98: {  	s18 =	sld [smem:$0x3FDB];
	_ =	sdelay $0x1  }
0x99: {  	s19 =	simm.s32 $_scs_section_size  }
0x9a: {  	s4 =	simm.s32 $_size__tile_overlayer_lowered;
	s5 =	simm.s32 $_tile_overlayer_lowered  }
0x9b: {  	s22 =	simm.s32 $0x1BFF;
	s21 =	sshll.u32 s5, $0x1;
	s2 =	sadd.s32 s19, s18  }
0x9c: {  	s6 =	simm.s32 $0x0;
	s20 =	sshll.u32 s4, $0x1;
	s4 =	sadd.s32 s21, s2  }
0x9d: {  	[timem:s6], [sflag:s22] =	dma.local [hbm:s4], s20  }
0x9e: {  	_ =	swait.ge [sflag:s22], s20  }
0x9f: {  	s3 =	ssub.s32 $0x0, s20;
	[sflag:s22] =	ssyncset.done $0x0  }
0xa0: {  	[sflag:s22] =	ssyncadd.s32 s3;
	_ =	sdelay $0x1  }
0xa1: {  	s23 =	simm.s32 $0x1B8B  }
0xa2: {  	_ =	swait.ge [sflag:s23], $0x1  }
0xa3: {  	[sflag:s23] =	ssyncset.done $0x0  }
0xa4: {  	s25 =	simm.s32 $0x1B8E;
	s24 =	sld [smem:$0x3FFE];
	[sflag:s23] =	ssyncadd.s32 $0xFFFFFFFF  }
0xa5: {  	s26 =	simm.s32 $execute0_lowered;
	[smem:$0x3FD2] =	sst s25  }
0xa6: {  	s4 =	sshll.u32 s26, $0x1;
	_ =	strace $0x80000049;
	[dreg:$0x1] =	wrdreg $0xFFFFFFFF  }
0xa7: {  	s28 =	simm.s32 $_size_execute0_lowered;
	s2 =	sadd.s32 s2, s4;
	[dreg:$0x0] =	wrdreg $0x0  }
0xa8: {  	s4 =	sshll.u32 s28, $0x1;
	[dreg:$0x2] =	wrdreg s2  }
0xa9: {  	[dreg:$0x3] =	wrdreg s4  }
0xaa: {  	[dreg:$0x4] =	wrdreg $0xC0  }
0xab: {  	_ =	task [dreg:s6], $0x5FFFF  }
0xac: {  	[dreg:$0x1] =	wrdreg $0xFFFFFFFF  }
0xad: {  	[dreg:$0x0] =	wrdreg $0x60  }
0xae: {  	[dreg:$0x2] =	wrdreg s24  }
0xaf: {  	[dreg:$0x3] =	wrdreg $0x70800  }
0xb0: {  	[dreg:$0x4] =	wrdreg $0x9  }
0xb1: {  	_ =	task.clear_ibuf [dreg:s6], $0x5FFFF;
	_ =	strace $0x90000049  }
0xb2: {  	s29 =	simm.s32 $0x9;
	_ =	strace $0x8000004B  }
0xb3: {  	_ =	swait.ge [sflag:s29], $0x1  }
0xb4: {  	[sflag:s29] =	ssyncadd.s32 $0xFFFFFFFF  }
0xb5: {  	_ =	strace $0x9000004B  }
0xb6: {  	_ =	sfence  }
0xb7: {  	s30 =	sld [smem:$0x0];
	_ =	sdelay $0x2  }
0xb8: {  	s31 =	sshll.u32 s1, $0xD;
	s1 =	sshrl.u32 s1, $0x2  }
0xb9: {  	s3 =	sand.u32 $0x4000, s31;
	s1 =	sadd.s32 s1, s30  }
0xba: {  	s0 =	sor.u32 s3, s0;
	s1 =	sshll.u32 s1, $0x11  }
0xbb: {  	s0 =	sor.u32 s1, s0  }
0xbc: {  	s0 =	sadd.s32 $0x8F2B, s0  }
0xbd: {  	[sflag:s0] =	ssyncadd.remote.s32 $0x1  }
0xbe: {  	_ =	sfence.sel $0xFFFF  }
0xbf: {  	[dreg:$0x0] =	wrdreg $0xFFFFFFFF;
	(pc) =	sbr.abs _section_cstart, $3  }
0xc0: {  	[dreg:$0x1] =	wrdreg $0xFFFFFFFF  }
0xc1: {  	_ =	task.clear_ibuf [dreg:s6], $0x2FFFF;
	_ =	strace $0x9FFFFFFF  }
0xc2: {  	(tm) =	ssettm $0x7FFFFFFF  }
0xc3: {  	_ =	shalt  }
tec
execute0_lowered:
.L_overlay_start_1:
0x0: {  	(tag) =	ssettag $0x1  }
0x1: {  	s0 =	rddreg [dreg:$0x0]  }
0x2: {  	s1 =	srdreg.scid;
	s10 =	stileid.u32  }
0x3: {  	s2 =	rddreg [dreg:$0x1];
	s5 =	smul.u32 $0x3100, s10  }
0x4: {  	s3 =	simm.s32 $0x0;
	s28 =	simm.s32 $0x960;
	s6 =	smul.u32 $0x186A0, s10  }
0x5: {  	s29 =	simm.s32 $0x1;
	s31 =	simm.s32 $0x0;
	s8 =	smul.u32 $0x62000, s10  }
0x6: {  	s1 =	sand.u32 $0x1, s1;
	[smem:$0x7FF] =	sst s3;
	s26 =	smul.u32 $0x30D4, s10  }
0x7: {  	s19 =	sadd.s32 $0x3000, s0;
	s4 =	smul.u32 $0x31000, s1;
	_ =	strace $0x8000004A  }
0x8: {  	s7 =	ssub.s32 $0x2, s1;
	p0 =	seq.s32 s1, $0x0;
	s1 =	simm.s32 $0x21DC00  }
0x9: {  	s18 =	sshrl.u32 s6, $0x3;
	s20 =	sshrl.u32 s7, $0x1;
	s24 =	sshrl.u32 s8, $0x2  }
0xa: {  	s1 =	simm.s32 @!p0 $0x1ECC00;
	s30 =	sadd.s32 s26, s19;
	s26 =	simm.s32 $0x320  }
0xb: {  	s4 =	sadd.s32 s5, s4;
	s6 =	ssub.s32 s7, s20;
	s9 =	sadd.s32 s24, s2  }
0xc: {  	s20 =	simm.s32 $0xC80;
	s24 =	simm.s32 $0x190;
	s5 =	sadd.s32 s4, s0  }
0xd: {  	s4 =	sadd.s32 s19, s18;
	s25 =	smax.u32 s6, $0x1;
	s11 =	sadd.s32 $0x3100, s9  }
0xe: {  	s12 =	sadd.s32 $0x6200, s9;
	s13 =	sadd.s32 $0x9300, s9;
	s14 =	sadd.s32 $0xC400, s9  }
0xf: {  	s15 =	sadd.s32 $0xF500, s9;
	s21 =	sadd.s32 $0x30D40, s4;
	[dreg:$0x7] =	wrdreg s25  }
0x10: {  	s16 =	sadd.s32 $0x12600, s9;
	s22 =	sadd.s32 $0x64, s4;
	[dreg:$0x3] =	wrdreg s21  }
0x11: {  	s17 =	sadd.s32 $0x15700, s9;
	s23 =	sadd.s32 $0x30DA4, s4;
	[dreg:$0x4] =	wrdreg s22  }
0x12: {  	s18 =	sadd.s32 s1, s0;
	s5 =	sadd.s32 $0x24EC00, s5;
	[dreg:$0x5] =	wrdreg s23  }
0x13: {  	s19 =	sadd.s32 $0x30E08, s30;
	s25 =	simm.s32 $0x2580;
	[dreg:$0x6] =	wrdreg s5  }
0x14: {  	v0 =	vimm.f32 $0.0e+00;
	s21 =	simm.s32 $0x3;
	s22 =	simm.s32 $0x640;
	s23 =	simm.s32 $0x2  }
.LBB2_1:
0x15: {  	s0 =	simm.s32 $0x40;
	s1 =	simm.s32 $0x0  }
.LBB2_2:
0x16: {  	p0 =	sne.s32 s0, $0xC3C0;
	[tilespmem:s1+$0xC80] =	vst v0;
	s1 =	smov.u32 s0;
	s0 =	sadd.s32 $0x40, s0  }
.Ltmp0:
0x17: {  	(pc) =	sbr.rel @p0 .LBB2_2-.Ltmp0, $2  }
0x18: {  	_ =	sdelay $0x2  }
0x19: {  	s1 =	sshra.s32 s1, $0x2  }
0x1a: {  	[tilespmem:s1+$0xC80] =	vst v0  }
0x1b: {  	[spmem:s9] =	stream.linear.scatter [tilespmem:s20], [sflag:$0x3], $0x3100, $0x38;
	[tilespmem:$0x1F880] =	vst v63  }
0x1c: {  	_ =	swait.ge [sflag:s21], $0x3100  }
0x1d: {  	[sflag:s21] =	ssyncset.done $0x0  }
0x1e: {  	[sflag:s21] =	ssyncadd.s32 $0xFFFFCF00  }
0x1f: {  	[spmem:s11] =	stream.linear.scatter [tilespmem:s20], [sflag:$0x3], $0x3100, $0x38;
	[tilespmem:$0x1F880] =	vst v63  }
0x20: {  	_ =	swait.ge [sflag:s21], $0x3100  }
0x21: {  	[sflag:s21] =	ssyncset.done $0x0  }
0x22: {  	[sflag:s21] =	ssyncadd.s32 $0xFFFFCF00  }
0x23: {  	[spmem:s12] =	stream.linear.scatter [tilespmem:s20], [sflag:$0x3], $0x3100, $0x38;
	[tilespmem:$0x1F880] =	vst v63  }
0x24: {  	_ =	swait.ge [sflag:s21], $0x3100  }
0x25: {  	[sflag:s21] =	ssyncset.done $0x0  }
0x26: {  	[sflag:s21] =	ssyncadd.s32 $0xFFFFCF00  }
0x27: {  	[spmem:s13] =	stream.linear.scatter [tilespmem:s20], [sflag:$0x3], $0x3100, $0x38;
	[tilespmem:$0x1F880] =	vst v63  }
0x28: {  	_ =	swait.ge [sflag:s21], $0x3100  }
0x29: {  	[sflag:s21] =	ssyncset.done $0x0  }
0x2a: {  	[sflag:s21] =	ssyncadd.s32 $0xFFFFCF00  }
0x2b: {  	[spmem:s14] =	stream.linear.scatter [tilespmem:s20], [sflag:$0x3], $0x3100, $0x38;
	[tilespmem:$0x1F880] =	vst v63  }
0x2c: {  	_ =	swait.ge [sflag:s21], $0x3100  }
0x2d: {  	[sflag:s21] =	ssyncset.done $0x0  }
0x2e: {  	[sflag:s21] =	ssyncadd.s32 $0xFFFFCF00  }
0x2f: {  	[spmem:s15] =	stream.linear.scatter [tilespmem:s20], [sflag:$0x3], $0x3100, $0x38;
	[tilespmem:$0x1F880] =	vst v63  }
0x30: {  	_ =	swait.ge [sflag:s21], $0x3100  }
0x31: {  	[sflag:s21] =	ssyncset.done $0x0  }
0x32: {  	[sflag:s21] =	ssyncadd.s32 $0xFFFFCF00  }
0x33: {  	[spmem:s16] =	stream.linear.scatter [tilespmem:s20], [sflag:$0x3], $0x3100, $0x38;
	[tilespmem:$0x1F880] =	vst v63  }
0x34: {  	_ =	swait.ge [sflag:s21], $0x3100  }
0x35: {  	[sflag:s21] =	ssyncset.done $0x0  }
0x36: {  	[sflag:s21] =	ssyncadd.s32 $0xFFFFCF00  }
0x37: {  	[spmem:s17] =	stream.linear.scatter [tilespmem:s20], [sflag:$0x3], $0x3100, $0x38;
	[tilespmem:$0x1F880] =	vst v63  }
0x38: {  	_ =	swait.ge [sflag:s21], $0x3100  }
0x39: {  	[sflag:s21] =	ssyncset.done $0x0  }
0x3a: {  	[sflag:s21] =	ssyncadd.s32 $0xFFFFCF00  }
0x3b: {  	s0 =	simm.s32 $0x0;
	[bflag:$0x0] =	sbarrier.arrive $0xFFFF  }
0x3c: {  	[tilespmem:s0], [sflag:$0x2] =	stream.linear.gather [hbm4b:s4+s0], $0x320, $0x38;
	[tilespmem:$0x1F880] =	vst v63  }
0x3d: {  	s6 =	rddreg [dreg:$0x3]  }
0x3e: {  	[tilespmem:s22], [sflag:$0x2] =	stream.linear.gather [hbm4b:s6+s0], $0x320, $0x38;
	[tilespmem:$0x1F880] =	vst v63  }
0x3f: {  	_ =	swait.ge [sflag:s23], $0x320  }
0x40: {  	[sflag:s23] =	ssyncset.done $0x0  }
0x41: {  	[sflag:s23] =	ssyncadd.s32 $0xFFFFFCE0  }
0x42: {  	_ =	swait.ge [sflag:s23], $0x320  }
0x43: {  	[sflag:s23] =	ssyncset.done $0x0  }
0x44: {  	[sflag:s23] =	ssyncadd.s32 $0xFFFFFCE0  }
0x45: {  	[tilespmem:s20], [sflag:$0x1] =	stream.indirect.gather [hbm4b:s18+s24], $0x10, s0, s24, $0xb8;
	[tilespmem:$0x1F880] =	vst v63  }
0x46: {  	_ = 	snop  }
0x47: {  	[tilespmem:s25], [sflag:$0x1] =	stream.indirect.gather [hbm4b:s18+s24], $0x10, s24, s24, $0xb8;
	[tilespmem:$0x1F880] =	vst v63  }
0x48: {  	s7 =	rddreg [dreg:$0x4]  }
0x49: {  	[tilespmem:s26], [sflag:$0x2] =	stream.linear.gather [hbm4b:s7+s0], $0x320, $0x38;
	[tilespmem:$0x1F880] =	vst v63  }
0x4a: {  	s8 =	rddreg [dreg:$0x5]  }
0x4b: {  	[tilespmem:s28], [sflag:$0x2] =	stream.linear.gather [hbm4b:s8+s0], $0x320, $0x38;
	[tilespmem:$0x1F880] =	vst v63  }
0x4c: {  	_ =	swait.ge [sflag:s23], $0x320  }
0x4d: {  	[sflag:s23] =	ssyncset.done $0x0  }
0x4e: {  	[sflag:s23] =	ssyncadd.s32 $0xFFFFFCE0  }
0x4f: {  	s0 =	sand.u32 $0x1, s0;
	_ =	swait.ge [sflag:s23], $0x320  }
0x50: {  	s10 =	sxor.u32 $0x1, s0;
	s5 =	smul.u32 $0xC800, s0;
	[sflag:s23] =	ssyncset.done $0x0  }
0x51: {  	s6 =	smul.u32 $0xC800, s10;
	[sflag:s23] =	ssyncadd.s32 $0xFFFFFCE0  }
0x52: {  	s1 =	smul.u32 $0xC80, s10;
	_ =	swait.ge [sflag:s29], $0x3200  }
0x53: {  	s0 =	smul.u32 $0x320, s0;
	s6 =	sshrl.u32 s6, $0x2;
	[sflag:s29] =	ssyncset.done $0x0  }
0x54: {  	s1 =	sshrl.u32 s1, $0x2;
	s30 =	sadd.s32 $0xC80, s6;
	[sflag:s29] =	ssyncadd.s32 $0xFFFFCE00  }
0x55: {  	[tilespmem:s30], [sflag:$0x1] =	stream.indirect.gather [hbm4b:s18+s24], $0x10, s1, s24, $0xb8;
	[tilespmem:$0x1F880] =	vst v63  }
0x56: {  	s5 =	sshrl.u32 s5, $0x2;
	s6 =	sadd.s32 $0x2580, s6;
	s1 =	sadd.s32 $0x190, s1  }
0x57: {  	[tilespmem:s6], [sflag:$0x1] =	stream.indirect.gather [hbm4b:s18+s24], $0x10, s1, s24, $0xb8;
	[tilespmem:$0x1F880] =	vst v63  }
0x58: {  	s7 =	sadd.s32 $0x640, s0;
	s6 =	sadd.s32 $0xC80, s5  }
0x59: {  	[spmem:s2] =	stream.indirect.scatter.add.f32 [tilespmem:s6], [sflag:$0x3], $0x10, s7, s26, $0xb8;
	[tilespmem:$0x1F880] =	vst v63  }
0x5a: {  	_ =	swait.ge [sflag:s21], $0x3200  }
0x5b: {  	[sflag:s21] =	ssyncset.done $0x0  }
0x5c: {  	s8 =	sadd.s32 $0xFFFCF2C0, s19;
	[sflag:s21] =	ssyncadd.s32 $0xFFFFCE00  }
0x5d: {  	[tilespmem:s0], [sflag:$0x2] =	stream.linear.gather [hbm4b:s8+s3], $0x320, $0x38;
	[tilespmem:$0x1F880] =	vst v63  }
0x5e: {  	_ = 	snop  }
0x5f: {  	[tilespmem:s7], [sflag:$0x2] =	stream.linear.gather [hbm4b:s19+s3], $0x320, $0x38;
	[tilespmem:$0x1F880] =	vst v63  }
0x60: {  	_ =	swait.ge [sflag:s23], $0x320  }
0x61: {  	s10 =	simm.s32 $0x1;
	[sflag:s23] =	ssyncset.done $0x0  }
0x62: {  	s1 =	sand.u32 $0x1, s10;
	[sflag:s23] =	ssyncadd.s32 $0xFFFFFCE0  }
0x63: {  	s30 =	simm.s32 $0x2;
	s5 =	sxor.u32 $0x1, s1;
	_ =	swait.ge [sflag:s23], $0x320  }
0x64: {  	s6 =	smul.u32 $0xC800, s1;
	s0 =	sadd.s32 $0x64, s19;
	[sflag:s23] =	ssyncset.done $0x0  }
.LBB2_4:
0x65: {  	s7 =	smul.u32 $0xC800, s5  }
0x66: {  	[sflag:s23] =	ssyncadd.s32 $0xFFFFFCE0;
	s8 =	smov.u32 s30;
	s10 =	sadd.s32 $0x1, s30  }
0x67: {  	s5 =	smul.u32 $0xC80, s5;
	_ =	swait.ge [sflag:s29], $0x3200;
	s6 =	sshrl.u32 s6, $0x2  }
0x68: {  	p0 =	sne.s32 s30, $0x7A;
	[sflag:s29] =	ssyncset.done $0x0;
	s7 =	sshrl.u32 s7, $0x2  }
0x69: {  	s5 =	sshrl.u32 s5, $0x2;
	[sflag:s29] =	ssyncadd.s32 $0xFFFFCE00;
	s30 =	sadd.s32 $0xC80, s7  }
0x6a: {  	[tilespmem:s30], [sflag:$0x1] =	stream.indirect.gather [hbm4b:s18+s24], $0x10, s5, s24, $0xb8;
	[tilespmem:$0x1F880] =	vst v63  }
0x6b: {  	s1 =	smul.u32 $0x320, s1;
	s7 =	sadd.s32 $0x2580, s7;
	s5 =	sadd.s32 $0x190, s5  }
0x6c: {  	[tilespmem:s7], [sflag:$0x1] =	stream.indirect.gather [hbm4b:s18+s24], $0x10, s5, s24, $0xb8;
	[tilespmem:$0x1F880] =	vst v63  }
0x6d: {  	s5 =	sadd.s32 $0xC80, s6;
	s6 =	sadd.s32 $0x640, s1  }
0x6e: {  	[spmem:s2] =	stream.indirect.scatter.add.f32 [tilespmem:s5], [sflag:$0x3], $0x10, s6, s26, $0xb8;
	[tilespmem:$0x1F880] =	vst v63  }
0x6f: {  	_ =	swait.ge [sflag:s21], $0x3200  }
0x70: {  	[sflag:s21] =	ssyncset.done $0x0  }
0x71: {  	s5 =	sadd.s32 $0xFFFCF2C0, s0;
	[sflag:s21] =	ssyncadd.s32 $0xFFFFCE00  }
0x72: {  	[tilespmem:s1], [sflag:$0x2] =	stream.linear.gather [hbm4b:s5+s3], $0x320, $0x38;
	[tilespmem:$0x1F880] =	vst v63  }
0x73: {  	_ = 	snop  }
0x74: {  	[tilespmem:s6], [sflag:$0x2] =	stream.linear.gather [hbm4b:s0+s3], $0x320, $0x38;
	[tilespmem:$0x1F880] =	vst v63  }
.Ltmp1:
0x75: {  	_ =	swait.ge [sflag:s23], $0x320;
	(pc) =	sbr.rel @p0 .LBB2_4-.Ltmp1, $4  }
0x76: {  	[sflag:s23] =	ssyncset.done $0x0  }
0x77: {  	s30 =	smov.u32 s10;
	[sflag:s23] =	ssyncadd.s32 $0xFFFFFCE0  }
0x78: {  	s1 =	sand.u32 $0x1, s8;
	s0 =	sadd.s32 $0x64, s0;
	_ =	swait.ge [sflag:s23], $0x320  }
0x79: {  	s5 =	sxor.u32 $0x1, s1;
	s6 =	smul.u32 $0xC800, s1;
	[sflag:s23] =	ssyncset.done $0x0  }
0x7a: {  	s7 =	smul.u32 $0xC800, s5;
	[sflag:s23] =	ssyncadd.s32 $0xFFFFFCE0  }
0x7b: {  	s30 =	smul.u32 $0xC80, s5;
	_ =	swait.ge [sflag:s29], $0x3200  }
0x7c: {  	s1 =	smul.u32 $0x320, s1;
	[sflag:s29] =	ssyncset.done $0x0;
	s7 =	sshrl.u32 s7, $0x2  }
0x7d: {  	s5 =	sshrl.u32 s30, $0x2;
	[sflag:s29] =	ssyncadd.s32 $0xFFFFCE00;
	s8 =	sadd.s32 $0xC80, s7  }
0x7e: {  	[tilespmem:s8], [sflag:$0x1] =	stream.indirect.gather [hbm4b:s18+s24], $0x10, s5, s24, $0xb8;
	[tilespmem:$0x1F880] =	vst v63  }
0x7f: {  	s6 =	sshrl.u32 s6, $0x2;
	s7 =	sadd.s32 $0x2580, s7;
	s5 =	sadd.s32 $0x190, s5  }
0x80: {  	[tilespmem:s7], [sflag:$0x1] =	stream.indirect.gather [hbm4b:s18+s24], $0x10, s5, s24, $0xb8;
	[tilespmem:$0x1F880] =	vst v63  }
0x81: {  	s10 =	sadd.s32 $0x640, s1;
	s8 =	sadd.s32 $0xC80, s6  }
0x82: {  	[spmem:s2] =	stream.indirect.scatter.add.f32 [tilespmem:s8], [sflag:$0x3], $0x10, s10, s26, $0xb8;
	[tilespmem:$0x1F880] =	vst v63  }
0x83: {  	_ =	swait.ge [sflag:s21], $0x3200  }
0x84: {  	[sflag:s21] =	ssyncset.done $0x0  }
0x85: {  	s30 =	sadd.s32 $0xFFFCF2C0, s0;
	[sflag:s21] =	ssyncadd.s32 $0xFFFFCE00  }
0x86: {  	[tilespmem:s1], [sflag:$0x2] =	stream.linear.gather [hbm4b:s30+s3], $0x320, $0x38;
	[tilespmem:$0x1F880] =	vst v63  }
0x87: {  	_ = 	snop  }
0x88: {  	[tilespmem:s10], [sflag:$0x2] =	stream.linear.gather [hbm4b:s0+s3], $0x320, $0x38;
	[tilespmem:$0x1F880] =	vst v63  }
0x89: {  	_ =	swait.ge [sflag:s23], $0x320  }
0x8a: {  	[sflag:s23] =	ssyncset.done $0x0  }
0x8b: {  	[sflag:s23] =	ssyncadd.s32 $0xFFFFFCE0  }
0x8c: {  	_ =	swait.ge [sflag:s23], $0x320  }
0x8d: {  	[sflag:s23] =	ssyncset.done $0x0  }
0x8e: {  	[sflag:s23] =	ssyncadd.s32 $0xFFFFFCE0  }
0x8f: {  	_ =	swait.ge [sflag:s29], $0x3200  }
0x90: {  	[sflag:s29] =	ssyncset.done $0x0  }
0x91: {  	[sflag:s29] =	ssyncadd.s32 $0xFFFFCE00  }
0x92: {  	[tilespmem:s20], [sflag:$0x1] =	stream.indirect.gather [hbm4b:s18+s24], $0x10, s3, s24, $0xb8;
	[tilespmem:$0x1F880] =	vst v63  }
0x93: {  	_ = 	snop  }
0x94: {  	[tilespmem:s25], [sflag:$0x1] =	stream.indirect.gather [hbm4b:s18+s24], $0x10, s24, s24, $0xb8;
	[tilespmem:$0x1F880] =	vst v63  }
0x95: {  	s6 =	simm.s32 $0x3E80  }
0x96: {  	[spmem:s2] =	stream.indirect.scatter.add.f32 [tilespmem:s6], [sflag:$0x3], $0x10, s28, s26, $0xb8;
	[tilespmem:$0x1F880] =	vst v63  }
0x97: {  	_ =	swait.ge [sflag:s21], $0x3200  }
0x98: {  	[sflag:s21] =	ssyncset.done $0x0  }
0x99: {  	[sflag:s21] =	ssyncadd.s32 $0xFFFFCE00  }
0x9a: {  	_ =	swait.ge [sflag:s29], $0x3200  }
0x9b: {  	[sflag:s29] =	ssyncset.done $0x0  }
0x9c: {  	[sflag:s29] =	ssyncadd.s32 $0xFFFFCE00  }
0x9d: {  	[spmem:s2] =	stream.indirect.scatter.add.f32 [tilespmem:s20], [sflag:$0x3], $0x10, s22, s26, $0xb8;
	[tilespmem:$0x1F880] =	vst v63  }
0x9e: {  	_ =	swait.ge [sflag:s21], $0x3200  }
0x9f: {  	[sflag:s21] =	ssyncset.done $0x0  }
0xa0: {  	s7 =	stileid.u32;
	[sflag:s21] =	ssyncadd.s32 $0xFFFFCE00  }
0xa1: {  	s0 =	sshll.u32 s7, $0x6;
	[bflag:$0x0] =	sbarrier.arrive $0xFFFF  }
0xa2: {  	s8 =	sshrl.u32 s9, $0x3;
	s0 =	sor.u32 $0x1C03, s0;
	s10 =	rddreg [dreg:$0x6]  }
0xa3: {  	[hbm:s10], [sflag:s0] =	dma.local [spmem:s8], $0x3100  }
0xa4: {  	_ =	swait.ge [sflag:s21], $0x3100  }
0xa5: {  	s31 =	sadd.s32 $0x1, s31;
	s30 =	rddreg [dreg:$0x7]  }
0xa6: {  	p0 =	sne.s32 s31, s30  }
.Ltmp2:
0xa7: {  	_ = 	snop;
	(pc) =	sbr.rel @p0 .LBB2_1-.Ltmp2, $3  }
0xa8: {  	_ =	sdelay $0x1  }
0xa9: {  	[sflag:s21] =	ssyncset.done $0x0  }
0xaa: {  	[sflag:s21] =	ssyncadd.s32 $0xFFFFCF00  }
0xab: {  	_ =	sfence.sel $0x180000  }
0xac: {  	[bflag:$0x0] =	sbarrier.arrive $0xFFFF  }
0xad: {  	_ =	strace $0x9000004A  }
0xae: {  	s0 =	stileid.u32;
	[bflag:$0x2] =	sbarrier.arrive $0xFFFF  }
0xaf: {  	p0 =	sne.s32 s0, $0x0;
	s0 =	rddreg [dreg:$0x2]  }
0xb0: {  	s0 =	sadd.s32 @!p0 $0x100000, s0  }
0xb1: {  	[sflag:s0] =	ssyncadd.tile.s32 @!p0 $0x1;
	_ =	shalt  }
.Lfunc_end2:
_tile_overlayer_lowered:
.L_overlay_start_2:
0xb2: {  	(tag) =	ssettag $0x2  }
0xb3: {  	s0 =	rddreg [dreg:$0x0];
	s2 =	stileid.u32  }
0xb4: {  	s1 =	rddreg [dreg:$0x1];
	p0 =	sne.s32 s2, $0x0  }
0xb5: {  	s3 =	rddreg [dreg:$0x2];
	[bflag:$0x3] =	sbarrier.arrive $0xFFFF;
	s2 =	simm.s32 @!p0 $0x1C03  }
0xb6: {  	[timem:s3], [sflag:s2] =	dma.local @!p0 [hbm:s0], s1  }
0xb7: {  	s0 =	simm.s32 @!p0 $0x3  }
0xb8: {  	_ =	swait.ge @!p0 [sflag:s0], s1  }
0xb9: {  	s1 =	ssub.s32 @!p0 $0x0, s1;
	[sflag:s0] =	ssyncset.done @!p0 $0x0  }
0xba: {  	[sflag:s0] =	ssyncadd.s32 @!p0 s1  }
0xbb: {  	[bflag:$0x3] =	sbarrier.arrive $0xFFFF  }
0xbc: {  	_ =	shalt  }

// kernel: kernel.14.cloned.1.call-start
scs
__scs_entry_jumppad:
0x0: {  	(pc) =	sbr.rel $0x88, $3  }
0x1: {  	(tag) =	ssettag $0x0;
	lr =	simm.s32 $0x1  }
0x2: {  	[smem:$0x3F9B] =	sst lr;
	_ =	strace $0xD0000000  }
0x3: {  	_ = 	snop  }
0x4: {  	_ = 	snop  }
0x5: {  	_ = 	snop  }
0x6: {  	_ = 	snop  }
0x7: {  	_ = 	snop  }
__scs_overlays_trampoline_lowered:
0x8: {  	[smem:$0x3FAA] =	sst s0  }
0x9: {  	[smem:$0x3FAB] =	sst s1  }
0xa: {  	[smem:$0x3FAC] =	sst s2  }
0xb: {  	[smem:$0x3FAD] =	sst s3  }
0xc: {  	[smem:$0x3FAE] =	sst s4  }
0xd: {  	[smem:$0x3FAF] =	sst s5  }
0xe: {  	[smem:$0x3FB0] =	sst s6  }
0xf: {  	[smem:$0x3FB1] =	sst s7  }
0x10: {  	[smem:$0x3FB2] =	sst s8  }
0x11: {  	[smem:$0x3FB3] =	sst s9;
	s0 =	simm.s32 @!p0 $0x0  }
0x12: {  	s1 =	sld [smem:$0x3F99];
	s0 =	simm.s32 @p0 $0x1  }
0x13: {  	[smem:$0x3FB4] =	sst s0;
	s0 =	simm.s32 @!p1 $0x0  }
0x14: {  	s2 =	sld [smem:$0x3F98];
	s0 =	simm.s32 @p1 $0x1  }
0x15: {  	[smem:$0x3FB5] =	sst s0;
	s0 =	simm.s32 @!p2 $0x0  }
0x16: {  	s3 =	sld [smem:$0x3FDB];
	s0 =	simm.s32 @p2 $0x1  }
0x17: {  	s4 =	simm.s32 $0x1BF5;
	[smem:$0x3FB7] =	sst s0  }
0x18: {  	s0 =	sld [smem:$0x3F9A];
	_ =	swait.ge [sflag:s4], $0x0  }
0x19: {  	s7 =	sld [smem:$0x3F9B]  }
0x1a: {  	s8 =	sadd.s32 $0xFFFFE003, lr  }
0x1b: {  	s9 =	sadd.s32 $0xFFFFFEF7, lr;
	s5 =	simm.s32 $0xFFFFFFFF;
	p2 =	slt.u32 s8, $0xFFFFF086  }
0x1c: {  	p1 =	slt.u32 s9, $0xF7A;
	s5 =	simm.s32 @!p2 $0x0  }
0x1d: {  	s5 =	simm.s32 @p1 $0x1;
	p0 =	seq.s32 s7, s2  }
0x1e: {  	s7 =	smul.u32 @!p0 $0xF7A, s2;
	p2 =	seq.s32 @!p0 s5, $0x0  }
0x1f: {  	s9 =	smul.u32 $0xF7A, s1;
	s8 =	simm.s32 @!p0 $0x1BF5;
	p2 =	por !p2, p0  }
0x20: {  	[sflag:s8] =	ssyncset.s32 @!p0 $0xFFFFF086;
	s6 =	sadd.s32 @!p0 s3, s7;
	s7 =	simm.s32 @!p0 $0x108  }
0x21: {  	s3 =	sadd.s32 s3, s9;
	s6 =	sadd.s32 @!p0 $0x88, s6;
	s7 =	simm.s32 @p2 $0x1082  }
0x22: {  	[simem:s7], [sflag:s8] =	dma.local @!p0 [hbm:s6], $0xF7A  }
0x23: {  	s9 =	sor.u32 $0xD0000000, s2;
	s6 =	simm.s32 $0x108;
	_ =	swait.ge @!p0 [sflag:s8], $0x0  }
0x24: {  	s3 =	sadd.s32 $0x88, s3;
	s6 =	simm.s32 @!p1 $0x1082;
	[sflag:s4] =	ssyncset.s32 $0xFFFFF086  }
0x25: {  	[simem:s6], [sflag:s4] =	dma.local [hbm:s3], $0xF7A  }
0x26: {  	[smem:$0x3F9B] =	sst s1;
	(tag) =	ssettag s2;
	_ =	strace s9  }
0x27: {  	s1 =	sld [smem:$0x3FAB]  }
0x28: {  	s2 =	sld [smem:$0x3FAC]  }
0x29: {  	s4 =	sld [smem:$0x3FAE]  }
0x2a: {  	p0 =	seq.s32 s5, $0x0;
	s5 =	sld [smem:$0x3FAF]  }
0x2b: {  	s6 =	sld [smem:$0x3FB0]  }
0x2c: {  	s7 =	sld [smem:$0x3FB1]  }
0x2d: {  	s3 =	simm.s32 $0x108;
	s8 =	sld [smem:$0x3FB2]  }
0x2e: {  	s3 =	simm.s32 @!p0 $0x1082;
	s9 =	sld [smem:$0x3FB3]  }
0x2f: {  	lr =	sadd.s32 s0, s3;
	s0 =	sld [smem:$0x3FAA]  }
0x30: {  	s3 =	sld [smem:$0x3FAD]  }
0x31: {  	[smem:$0x3FB6] =	sst s10  }
0x32: {  	s10 =	sld [smem:$0x3FB4];
	_ =	sdelay $0x3  }
0x33: {  	p0 =	seq.s32 s10, $0x1;
	s10 =	sld [smem:$0x3FB6];
	_ =	sdelay $0x3  }
0x34: {  	[smem:$0x3FB6] =	sst s10  }
0x35: {  	s10 =	sld [smem:$0x3FB5];
	_ =	sdelay $0x3  }
0x36: {  	p1 =	seq.s32 s10, $0x1;
	s10 =	sld [smem:$0x3FB6];
	_ =	sdelay $0x3  }
0x37: {  	[smem:$0x3FB6] =	sst s10  }
0x38: {  	s10 =	sld [smem:$0x3FB7]  }
0x39: {  	_ = 	snop;
	(pc) =	sbr.ind lr, $3  }
0x3a: {  	_ = 	snop  }
0x3b: {  	_ = 	snop  }
0x3c: {  	p2 =	seq.s32 s10, $0x1;
	s10 =	sld [smem:$0x3FB6]  }
0x3d: {  	_ =	shalt  }
0x3e: {  	_ =	shalt  }
0x3f: {  	_ =	shalt  }
0x40: {  	_ =	shalt  }
0x41: {  	_ =	shalt  }
0x42: {  	_ =	shalt  }
0x43: {  	_ =	shalt  }
0x44: {  	_ =	shalt  }
0x45: {  	_ =	shalt  }
0x46: {  	_ =	shalt  }
0x47: {  	_ =	shalt  }
0x48: {  	_ =	shalt  }
0x49: {  	_ =	shalt  }
0x4a: {  	_ =	shalt  }
0x4b: {  	_ =	shalt  }
0x4c: {  	_ =	shalt  }
0x4d: {  	_ =	shalt  }
0x4e: {  	_ =	shalt  }
0x4f: {  	_ =	shalt  }
0x50: {  	_ =	shalt  }
0x51: {  	_ =	shalt  }
0x52: {  	_ =	shalt  }
0x53: {  	_ =	shalt  }
0x54: {  	_ =	shalt  }
0x55: {  	_ =	shalt  }
0x56: {  	_ =	shalt  }
0x57: {  	_ =	shalt  }
0x58: {  	_ =	shalt  }
0x59: {  	_ =	shalt  }
0x5a: {  	_ =	shalt  }
0x5b: {  	_ =	shalt  }
0x5c: {  	_ =	shalt  }
0x5d: {  	_ =	shalt  }
0x5e: {  	_ =	shalt  }
0x5f: {  	_ =	shalt  }
0x60: {  	_ =	shalt  }
0x61: {  	_ =	shalt  }
0x62: {  	_ =	shalt  }
0x63: {  	_ =	shalt  }
0x64: {  	_ =	shalt  }
0x65: {  	_ =	shalt  }
0x66: {  	_ =	shalt  }
0x67: {  	_ =	shalt  }
0x68: {  	_ =	shalt  }
0x69: {  	_ =	shalt  }
0x6a: {  	_ =	shalt  }
0x6b: {  	_ =	shalt  }
0x6c: {  	_ =	shalt  }
0x6d: {  	_ =	shalt  }
0x6e: {  	_ =	shalt  }
0x6f: {  	_ =	shalt  }
0x70: {  	_ =	shalt  }
0x71: {  	_ =	shalt  }
0x72: {  	_ =	shalt  }
0x73: {  	_ =	shalt  }
0x74: {  	_ =	shalt  }
0x75: {  	_ =	shalt  }
0x76: {  	_ =	shalt  }
0x77: {  	_ =	shalt  }
0x78: {  	_ =	shalt  }
0x79: {  	_ =	shalt  }
0x7a: {  	_ =	shalt  }
0x7b: {  	_ =	shalt  }
0x7c: {  	_ =	shalt  }
0x7d: {  	_ =	shalt  }
0x7e: {  	_ =	shalt  }
0x7f: {  	_ =	shalt  }
0x80: {  	_ =	shalt  }
0x81: {  	_ =	shalt  }
0x82: {  	_ =	shalt  }
0x83: {  	_ =	shalt  }
0x84: {  	_ =	shalt  }
0x85: {  	_ =	shalt  }
0x86: {  	_ =	shalt  }
0x87: {  	_ =	shalt  }
.Lfunc_end0:
.L_simem_size_0:
called_computation.2_lowered:
.L_overlay_start_0:
0x88: {  	s2 =	sld [smem:$0x3FD9]  }
0x89: {  	s3 =	sld [smem:$0x3FFE];
	_ =	sdelay $0x1  }
0x8a: {  	s1 =	srdreg.scid  }
0x8b: {  	s0 =	sand.u32 $0x1, s1  }
0x8c: {  	s16 =	sshll.u32 s0, $0xA;
	s2 =	sadd.s32 s3, s2  }
0x8d: {  	s2 =	sadd.s32 s2, s16  }
0x8e: {  	[smem:$0x3FC2] =	sst s2  }
0x8f: {  	_ = 	snop  }
0x90: {  	(tm) =	ssettm $0x1  }
0x91: {  	s17 =	sld [smem:$0x3FFB];
	_ =	sdelay $0x3  }
0x92: {  	_ =	strace s17  }
0x93: {  	s2 =	sld [smem:$0x3FFC];
	_ =	sdelay $0x3  }
0x94: {  	_ =	strace s2  }
0x95: {  	s2 =	sld [smem:$0x3FFD];
	_ =	sdelay $0x3  }
0x96: {  	_ =	strace s2  }
0x97: {  	_ =	strace $0x8FFFFFFF  }
0x98: {  	s18 =	sld [smem:$0x3FDB];
	_ =	sdelay $0x1  }
0x99: {  	s19 =	simm.s32 $_scs_section_size  }
0x9a: {  	s4 =	simm.s32 $_size__tile_overlayer_lowered;
	s5 =	simm.s32 $_tile_overlayer_lowered  }
0x9b: {  	s22 =	simm.s32 $0x1BFF;
	s21 =	sshll.u32 s5, $0x1;
	s2 =	sadd.s32 s19, s18  }
0x9c: {  	s6 =	simm.s32 $0x0;
	s20 =	sshll.u32 s4, $0x1;
	s4 =	sadd.s32 s21, s2  }
0x9d: {  	[timem:s6], [sflag:s22] =	dma.local [hbm:s4], s20  }
0x9e: {  	_ =	swait.ge [sflag:s22], s20  }
0x9f: {  	s3 =	ssub.s32 $0x0, s20;
	[sflag:s22] =	ssyncset.done $0x0  }
0xa0: {  	[sflag:s22] =	ssyncadd.s32 s3;
	_ =	sdelay $0x1  }
0xa1: {  	s23 =	simm.s32 $0x1B8B  }
0xa2: {  	_ =	swait.ge [sflag:s23], $0x1  }
0xa3: {  	[sflag:s23] =	ssyncset.done $0x0  }
0xa4: {  	s25 =	simm.s32 $0x1B8E;
	s24 =	sld [smem:$0x3FFE];
	[sflag:s23] =	ssyncadd.s32 $0xFFFFFFFF  }
0xa5: {  	s26 =	simm.s32 $execute0_lowered;
	[smem:$0x3FD2] =	sst s25  }
0xa6: {  	s4 =	sshll.u32 s26, $0x1;
	_ =	strace $0x8000004C;
	[dreg:$0x1] =	wrdreg $0xFFFFFFFF  }
0xa7: {  	s28 =	simm.s32 $_size_execute0_lowered;
	s2 =	sadd.s32 s2, s4;
	[dreg:$0x0] =	wrdreg $0x0  }
0xa8: {  	s4 =	sshll.u32 s28, $0x1;
	[dreg:$0x2] =	wrdreg s2  }
0xa9: {  	[dreg:$0x3] =	wrdreg s4  }
0xaa: {  	[dreg:$0x4] =	wrdreg $0xC0  }
0xab: {  	_ =	task [dreg:s6], $0x5FFFF  }
0xac: {  	[dreg:$0x1] =	wrdreg $0xFFFFFFFF  }
0xad: {  	[dreg:$0x0] =	wrdreg $0x60  }
0xae: {  	[dreg:$0x2] =	wrdreg s24  }
0xaf: {  	[dreg:$0x3] =	wrdreg $0x1BB500  }
0xb0: {  	[dreg:$0x4] =	wrdreg $0x9  }
0xb1: {  	_ =	task.clear_ibuf [dreg:s6], $0x5FFFF;
	_ =	strace $0x9000004C  }
0xb2: {  	s29 =	simm.s32 $0x9;
	_ =	strace $0x8000004E  }
0xb3: {  	_ =	swait.ge [sflag:s29], $0x1  }
0xb4: {  	[sflag:s29] =	ssyncadd.s32 $0xFFFFFFFF  }
0xb5: {  	_ =	strace $0x9000004E  }
0xb6: {  	_ =	sfence  }
0xb7: {  	s30 =	sld [smem:$0x0];
	_ =	sdelay $0x2  }
0xb8: {  	s31 =	sshll.u32 s1, $0xD;
	s1 =	sshrl.u32 s1, $0x2  }
0xb9: {  	s3 =	sand.u32 $0x4000, s31;
	s1 =	sadd.s32 s1, s30  }
0xba: {  	s0 =	sor.u32 s3, s0;
	s1 =	sshll.u32 s1, $0x11  }
0xbb: {  	s0 =	sor.u32 s1, s0  }
0xbc: {  	s0 =	sadd.s32 $0x8F2B, s0  }
0xbd: {  	[sflag:s0] =	ssyncadd.remote.s32 $0x1  }
0xbe: {  	_ =	sfence.sel $0xFFFF  }
0xbf: {  	[dreg:$0x0] =	wrdreg $0xFFFFFFFF;
	(pc) =	sbr.abs _section_cstart, $3  }
0xc0: {  	[dreg:$0x1] =	wrdreg $0xFFFFFFFF  }
0xc1: {  	_ =	task.clear_ibuf [dreg:s6], $0x2FFFF;
	_ =	strace $0x9FFFFFFF  }
0xc2: {  	(tm) =	ssettm $0x7FFFFFFF  }
0xc3: {  	_ =	shalt  }
tec
execute0_lowered:
.L_overlay_start_1:
0x0: {  	(tag) =	ssettag $0x1  }
0x1: {  	s7 =	rddreg [dreg:$0x0]  }
0x2: {  	s1 =	rddreg [dreg:$0x1]  }
0x3: {  	s2 =	srdreg.scid;
	s0 =	rddreg [dreg:$0x2];
	s3 =	simm.s32 $0x0  }
0x4: {  	s14 =	simm.s32 $0x2;
	s15 =	simm.s32 $0x1AF10;
	s16 =	simm.s32 $0xFA0  }
0x5: {  	s17 =	simm.s32 $0x1;
	s18 =	simm.s32 $0x7D0;
	s19 =	simm.s32 $0x1F40  }
0x6: {  	s21 =	simm.s32 $0x0;
	s8 =	sand.u32 $0x1, s2;
	s2 =	stileid.u32  }
0x7: {  	[smem:$0x7FF] =	sst s3;
	s4 =	sadd.s32 $0x3000, s7;
	s6 =	smul.u32 $0x18800, s8  }
0x8: {  	s11 =	smul.u32 $0x1880, s2;
	s5 =	sshll.u32 s2, $0x1;
	_ =	strace $0x8000004D  }
0x9: {  	s28 =	smul.u32 $0x6200, s2;
	s9 =	sor.u32 s8, s5;
	s5 =	sadd.s32 $0x64C00, s7  }
0xa: {  	s8 =	ssub.s32 $0x2, s8;
	s10 =	sadd.s32 s11, s6;
	s6 =	smul.u32 $0xC350, s9  }
0xb: {  	s29 =	sshrl.u32 s8, $0x1;
	s31 =	sshrl.u32 s28, $0x2;
	s20 =	sadd.s32 s11, s1  }
0xc: {  	s26 =	sshrl.u32 s10, $0x3;
	s13 =	ssub.s32 s8, s29;
	s8 =	sadd.s32 s31, s1  }
0xd: {  	s20 =	sshrl.u32 s20, $0x3;
	s12 =	sadd.s32 s26, s7;
	s30 =	sshrl.u32 s6, $0x3  }
0xe: {  	s11 =	smax.u32 s13, $0x1;
	s13 =	simm.s32 $0x2710;
	s7 =	sadd.s32 s4, s30  }
0xf: {  	v0 =	vimm.f32 $0.0e+00;
	s10 =	sadd.s32 $0x67E00, s12;
	s12 =	sadd.s32 $0xC40, s8;
	s9 =	sadd.s32 $0x30D40, s7  }
.LBB2_1:
0x10: {  	[tilespmem:s13], [sflag:$0x2] =	stream.linear.gather [hbm4b:s5+s3], $0x18800, $0x38;
	[tilespmem:$0x1D3D0] =	vst v63  }
0x11: {  	_ =	swait.ge [sflag:s14], $0x18800  }
0x12: {  	[sflag:s14] =	ssyncset.done $0x0  }
0x13: {  	s22 =	simm.s32 $0x40;
	s23 =	simm.s32 $0x0;
	[sflag:s14] =	ssyncadd.s32 $0xFFFE7800  }
.LBB2_2:
0x14: {  	p0 =	sne.s32 s22, $0x30C0;
	[tilespmem:s23+$0x1AF10] =	vst v0;
	s23 =	smov.u32 s22;
	s22 =	sadd.s32 $0x40, s22  }
.Ltmp0:
0x15: {  	(pc) =	sbr.rel @p0 .LBB2_2-.Ltmp0, $2  }
0x16: {  	_ =	sdelay $0x2  }
0x17: {  	s23 =	sshra.s32 s23, $0x2  }
0x18: {  	[tilespmem:s23+$0x1AF10] =	vst v0  }
0x19: {  	[spmem:s8] =	stream.linear.scatter [tilespmem:s15], [sflag:$0x2], $0xC40, $0x38;
	[tilespmem:$0x1D3D0] =	vst v63  }
0x1a: {  	_ =	swait.ge [sflag:s14], $0xC40  }
0x1b: {  	[sflag:s14] =	ssyncset.done $0x0  }
0x1c: {  	[sflag:s14] =	ssyncadd.s32 $0xFFFFF3C0  }
0x1d: {  	[spmem:s12] =	stream.linear.scatter [tilespmem:s15], [sflag:$0x2], $0xC40, $0x38;
	[tilespmem:$0x1D3D0] =	vst v63  }
0x1e: {  	_ =	swait.ge [sflag:s14], $0xC40  }
0x1f: {  	[sflag:s14] =	ssyncset.done $0x0  }
0x20: {  	[sflag:s14] =	ssyncadd.s32 $0xFFFFF3C0  }
0x21: {  	s22 =	simm.s32 $0x0;
	[bflag:$0x0] =	sbarrier.arrive $0xFFFF  }
0x22: {  	[tilespmem:s22], [sflag:$0x1] =	stream.linear.gather [hbm4b:s7+s22], $0x7D0, $0x38;
	[tilespmem:$0x1D3D0] =	vst v63  }
0x23: {  	p0 =	por $0x0, $0x0  }
0x24: {  	[tilespmem:s16], [sflag:$0x1] =	stream.linear.gather [hbm4b:s9+s22], $0x7D0, $0x38;
	[tilespmem:$0x1D3D0] =	vst v63  }
.LBB2_4:
0x25: {  	s23 =	smov.u32 s22;
	s24 =	simm.s32 $0x1;
	_ =	swait.ge [sflag:s17], $0x7D0  }
0x26: {  	s22 =	sadd.s32 $0x1, s22;
	p1 =	seq.s32 s23, $0x18;
	s24 =	simm.s32 @!p0 $0x0  }
0x27: {  	[sflag:s17] =	ssyncset.done $0x0;
	s23 =	sand.u32 $0x1, s23;
	s25 =	smul.u32 @!p1 $0x7D0, s22  }
0x28: {  	s24 =	smul.u32 $0x1F40, s24;
	[sflag:s17] =	ssyncadd.s32 $0xFFFFF830;
	s26 =	sxor.u32 @!p1 $0x1, s23  }
0x29: {  	_ =	swait.ge [sflag:s17], $0x7D0;
	s26 =	smul.u32 @!p1 $0x7D0, s26;
	s25 =	sadd.s32 @!p1 s6, s25  }
0x2a: {  	[sflag:s17] =	ssyncset.done $0x0;
	s24 =	sshrl.u32 s24, $0x2;
	s25 =	sshrl.u32 @!p1 s25, $0x3  }
0x2b: {  	s28 =	simm.s32 @!p1 $0x0;
	[sflag:s17] =	ssyncadd.s32 $0xFFFFF830;
	v1 =	vmov s24;
	s25 =	sadd.s32 @!p1 s4, s25  }
0x2c: {  	[tilespmem:s26], [sflag:$0x1] =	stream.linear.gather @!p1 [hbm4b:s25+s28], $0x7D0, $0x38;
	[tilespmem:$0x1D3D0] =	vst v63  }
0x2d: {  	s23 =	smul.u32 $0x7D0, s23;
	s26 =	sadd.s32 @!p1 $0xFA0, s26;
	s25 =	sadd.s32 @!p1 $0x30D40, s25  }
0x2e: {  	[tilespmem:s26], [sflag:$0x1] =	stream.linear.gather @!p1 [hbm4b:s25+s28], $0x7D0, $0x38;
	[tilespmem:$0x1D3D0] =	vst v63  }
0x2f: {  	s23 =	sadd.s32 $0xFA0, s23;
	s24 =	simm.s32 $0x0;
	s25 =	simm.s32 $0x40  }
.LBB2_5:
0x30: {  	p1 =	sne.s32 s25, $0x1F00;
	v2 =	vld.idx.msk [tilespmem:v1+s24+$0x0 ss:$0x1], $0xffff;
	_ =	sdelay $0x7  }
0x31: {  	v2 =	vld.idx.msk [tilespmem:v2+s13+$0x0], $0xffff;
	_ =	sdelay $0x1  }
.Ltmp1:
0x32: {  	(pc) =	sbr.rel @p1 .LBB2_5-.Ltmp1, $2  }
0x33: {  	_ =	sdelay $0x2  }
0x34: {  	[tilespmem:s24+$0x1F40] =	vst v2;
	s24 =	sshra.s32 s25, $0x2;
	s25 =	sadd.s32 $0x40, s25  }
0x35: {  	_ =	sdelay $0x3  }
0x36: {  	v1 =	vld.idx.msk [tilespmem:v1+s24+$0x0 ss:$0x1], $0xffff;
	_ =	sdelay $0x7  }
0x37: {  	v1 =	vld.idx.msk [tilespmem:v1+s13+$0x0], $0xffff;
	_ =	sdelay $0x3  }
0x38: {  	p1 =	sne.s32 s22, $0x19  }
.Ltmp2:
0x39: {  	[tilespmem:s24+$0x1F40] =	vst v1;
	(pc) =	sbr.rel @p1 .LBB2_4-.Ltmp2, $4  }
0x3a: {  	[spmem:s1] =	stream.indirect.scatter.add.f32 [tilespmem:s19], [sflag:$0x2], $0x1, s23, s18, $0xb8;
	[tilespmem:$0x1D3D0] =	vst v63  }
0x3b: {  	_ =	swait.ge [sflag:s14], $0x7D0  }
0x3c: {  	[sflag:s14] =	ssyncset.done $0x0  }
0x3d: {  	p0 =	por !p0, !p0;
	[sflag:s14] =	ssyncadd.s32 $0xFFFFF830  }
0x3e: {  	s21 =	sadd.s32 $0x1, s21  }
0x3f: {  	s22 =	sshll.u32 s2, $0x6;
	p0 =	sne.s32 s21, s11  }
.Ltmp3:
0x40: {  	[bflag:$0x0] =	sbarrier.arrive $0xFFFF;
	s22 =	sor.u32 $0x1C02, s22;
	(pc) =	sbr.rel @p0 .LBB2_1-.Ltmp3, $4  }
0x41: {  	[hbm:s10], [sflag:s22] =	dma.local [spmem:s20], $0x310  }
0x42: {  	_ =	swait.ge [sflag:s14], $0x310  }
0x43: {  	[sflag:s14] =	ssyncset.done $0x0  }
0x44: {  	[sflag:s14] =	ssyncadd.s32 $0xFFFFFCF0  }
0x45: {  	_ =	sfence.sel $0x180000  }
0x46: {  	[bflag:$0x0] =	sbarrier.arrive $0xFFFF  }
0x47: {  	p0 =	sne.s32 s2, $0x0;
	_ =	strace $0x9000004D  }
0x48: {  	s0 =	sadd.s32 @!p0 $0x100000, s0;
	[bflag:$0x2] =	sbarrier.arrive $0xFFFF  }
0x49: {  	[sflag:s0] =	ssyncadd.tile.s32 @!p0 $0x1;
	_ =	shalt  }
.Lfunc_end2:
_tile_overlayer_lowered:
.L_overlay_start_2:
0x4a: {  	(tag) =	ssettag $0x2  }
0x4b: {  	s0 =	rddreg [dreg:$0x0];
	s2 =	stileid.u32  }
0x4c: {  	s1 =	rddreg [dreg:$0x1];
	p0 =	sne.s32 s2, $0x0  }
0x4d: {  	s3 =	rddreg [dreg:$0x2];
	[bflag:$0x3] =	sbarrier.arrive $0xFFFF;
	s2 =	simm.s32 @!p0 $0x1C02  }
0x4e: {  	[timem:s3], [sflag:s2] =	dma.local @!p0 [hbm:s0], s1  }
0x4f: {  	s0 =	simm.s32 @!p0 $0x2  }
0x50: {  	_ =	swait.ge @!p0 [sflag:s0], s1  }
0x51: {  	s1 =	ssub.s32 @!p0 $0x0, s1;
	[sflag:s0] =	ssyncset.done @!p0 $0x0  }
0x52: {  	[sflag:s0] =	ssyncadd.s32 @!p0 s1  }
0x53: {  	[bflag:$0x3] =	sbarrier.arrive $0xFFFF  }
0x54: {  	_ =	shalt  }

// kernel: kernel.8.cloned.1.call-start
scs
__scs_entry_jumppad:
0x0: {  	(pc) =	sbr.rel $0x88, $3  }
0x1: {  	(tag) =	ssettag $0x0;
	lr =	simm.s32 $0x1  }
0x2: {  	[smem:$0x3F9B] =	sst lr;
	_ =	strace $0xD0000000  }
0x3: {  	_ = 	snop  }
0x4: {  	_ = 	snop  }
0x5: {  	_ = 	snop  }
0x6: {  	_ = 	snop  }
0x7: {  	_ = 	snop  }
__scs_overlays_trampoline_lowered:
0x8: {  	[smem:$0x3FAA] =	sst s0  }
0x9: {  	[smem:$0x3FAB] =	sst s1  }
0xa: {  	[smem:$0x3FAC] =	sst s2  }
0xb: {  	[smem:$0x3FAD] =	sst s3  }
0xc: {  	[smem:$0x3FAE] =	sst s4  }
0xd: {  	[smem:$0x3FAF] =	sst s5  }
0xe: {  	[smem:$0x3FB0] =	sst s6  }
0xf: {  	[smem:$0x3FB1] =	sst s7  }
0x10: {  	[smem:$0x3FB2] =	sst s8  }
0x11: {  	[smem:$0x3FB3] =	sst s9;
	s0 =	simm.s32 @!p0 $0x0  }
0x12: {  	s1 =	sld [smem:$0x3F99];
	s0 =	simm.s32 @p0 $0x1  }
0x13: {  	[smem:$0x3FB4] =	sst s0;
	s0 =	simm.s32 @!p1 $0x0  }
0x14: {  	s2 =	sld [smem:$0x3F98];
	s0 =	simm.s32 @p1 $0x1  }
0x15: {  	[smem:$0x3FB5] =	sst s0;
	s0 =	simm.s32 @!p2 $0x0  }
0x16: {  	s3 =	sld [smem:$0x3FDB];
	s0 =	simm.s32 @p2 $0x1  }
0x17: {  	s4 =	simm.s32 $0x1BF5;
	[smem:$0x3FB7] =	sst s0  }
0x18: {  	s0 =	sld [smem:$0x3F9A];
	_ =	swait.ge [sflag:s4], $0x0  }
0x19: {  	s7 =	sld [smem:$0x3F9B]  }
0x1a: {  	s8 =	sadd.s32 $0xFFFFE003, lr  }
0x1b: {  	s9 =	sadd.s32 $0xFFFFFEF7, lr;
	s5 =	simm.s32 $0xFFFFFFFF;
	p2 =	slt.u32 s8, $0xFFFFF086  }
0x1c: {  	p1 =	slt.u32 s9, $0xF7A;
	s5 =	simm.s32 @!p2 $0x0  }
0x1d: {  	s5 =	simm.s32 @p1 $0x1;
	p0 =	seq.s32 s7, s2  }
0x1e: {  	s7 =	smul.u32 @!p0 $0xF7A, s2;
	p2 =	seq.s32 @!p0 s5, $0x0  }
0x1f: {  	s9 =	smul.u32 $0xF7A, s1;
	s8 =	simm.s32 @!p0 $0x1BF5;
	p2 =	por !p2, p0  }
0x20: {  	[sflag:s8] =	ssyncset.s32 @!p0 $0xFFFFF086;
	s6 =	sadd.s32 @!p0 s3, s7;
	s7 =	simm.s32 @!p0 $0x108  }
0x21: {  	s3 =	sadd.s32 s3, s9;
	s6 =	sadd.s32 @!p0 $0x88, s6;
	s7 =	simm.s32 @p2 $0x1082  }
0x22: {  	[simem:s7], [sflag:s8] =	dma.local @!p0 [hbm:s6], $0xF7A  }
0x23: {  	s9 =	sor.u32 $0xD0000000, s2;
	s6 =	simm.s32 $0x108;
	_ =	swait.ge @!p0 [sflag:s8], $0x0  }
0x24: {  	s3 =	sadd.s32 $0x88, s3;
	s6 =	simm.s32 @!p1 $0x1082;
	[sflag:s4] =	ssyncset.s32 $0xFFFFF086  }
0x25: {  	[simem:s6], [sflag:s4] =	dma.local [hbm:s3], $0xF7A  }
0x26: {  	[smem:$0x3F9B] =	sst s1;
	(tag) =	ssettag s2;
	_ =	strace s9  }
0x27: {  	s1 =	sld [smem:$0x3FAB]  }
0x28: {  	s2 =	sld [smem:$0x3FAC]  }
0x29: {  	s4 =	sld [smem:$0x3FAE]  }
0x2a: {  	p0 =	seq.s32 s5, $0x0;
	s5 =	sld [smem:$0x3FAF]  }
0x2b: {  	s6 =	sld [smem:$0x3FB0]  }
0x2c: {  	s7 =	sld [smem:$0x3FB1]  }
0x2d: {  	s3 =	simm.s32 $0x108;
	s8 =	sld [smem:$0x3FB2]  }
0x2e: {  	s3 =	simm.s32 @!p0 $0x1082;
	s9 =	sld [smem:$0x3FB3]  }
0x2f: {  	lr =	sadd.s32 s0, s3;
	s0 =	sld [smem:$0x3FAA]  }
0x30: {  	s3 =	sld [smem:$0x3FAD]  }
0x31: {  	[smem:$0x3FB6] =	sst s10  }
0x32: {  	s10 =	sld [smem:$0x3FB4];
	_ =	sdelay $0x3  }
0x33: {  	p0 =	seq.s32 s10, $0x1;
	s10 =	sld [smem:$0x3FB6];
	_ =	sdelay $0x3  }
0x34: {  	[smem:$0x3FB6] =	sst s10  }
0x35: {  	s10 =	sld [smem:$0x3FB5];
	_ =	sdelay $0x3  }
0x36: {  	p1 =	seq.s32 s10, $0x1;
	s10 =	sld [smem:$0x3FB6];
	_ =	sdelay $0x3  }
0x37: {  	[smem:$0x3FB6] =	sst s10  }
0x38: {  	s10 =	sld [smem:$0x3FB7]  }
0x39: {  	_ = 	snop;
	(pc) =	sbr.ind lr, $3  }
0x3a: {  	_ = 	snop  }
0x3b: {  	_ = 	snop  }
0x3c: {  	p2 =	seq.s32 s10, $0x1;
	s10 =	sld [smem:$0x3FB6]  }
0x3d: {  	_ =	shalt  }
0x3e: {  	_ =	shalt  }
0x3f: {  	_ =	shalt  }
0x40: {  	_ =	shalt  }
0x41: {  	_ =	shalt  }
0x42: {  	_ =	shalt  }
0x43: {  	_ =	shalt  }
0x44: {  	_ =	shalt  }
0x45: {  	_ =	shalt  }
0x46: {  	_ =	shalt  }
0x47: {  	_ =	shalt  }
0x48: {  	_ =	shalt  }
0x49: {  	_ =	shalt  }
0x4a: {  	_ =	shalt  }
0x4b: {  	_ =	shalt  }
0x4c: {  	_ =	shalt  }
0x4d: {  	_ =	shalt  }
0x4e: {  	_ =	shalt  }
0x4f: {  	_ =	shalt  }
0x50: {  	_ =	shalt  }
0x51: {  	_ =	shalt  }
0x52: {  	_ =	shalt  }
0x53: {  	_ =	shalt  }
0x54: {  	_ =	shalt  }
0x55: {  	_ =	shalt  }
0x56: {  	_ =	shalt  }
0x57: {  	_ =	shalt  }
0x58: {  	_ =	shalt  }
0x59: {  	_ =	shalt  }
0x5a: {  	_ =	shalt  }
0x5b: {  	_ =	shalt  }
0x5c: {  	_ =	shalt  }
0x5d: {  	_ =	shalt  }
0x5e: {  	_ =	shalt  }
0x5f: {  	_ =	shalt  }
0x60: {  	_ =	shalt  }
0x61: {  	_ =	shalt  }
0x62: {  	_ =	shalt  }
0x63: {  	_ =	shalt  }
0x64: {  	_ =	shalt  }
0x65: {  	_ =	shalt  }
0x66: {  	_ =	shalt  }
0x67: {  	_ =	shalt  }
0x68: {  	_ =	shalt  }
0x69: {  	_ =	shalt  }
0x6a: {  	_ =	shalt  }
0x6b: {  	_ =	shalt  }
0x6c: {  	_ =	shalt  }
0x6d: {  	_ =	shalt  }
0x6e: {  	_ =	shalt  }
0x6f: {  	_ =	shalt  }
0x70: {  	_ =	shalt  }
0x71: {  	_ =	shalt  }
0x72: {  	_ =	shalt  }
0x73: {  	_ =	shalt  }
0x74: {  	_ =	shalt  }
0x75: {  	_ =	shalt  }
0x76: {  	_ =	shalt  }
0x77: {  	_ =	shalt  }
0x78: {  	_ =	shalt  }
0x79: {  	_ =	shalt  }
0x7a: {  	_ =	shalt  }
0x7b: {  	_ =	shalt  }
0x7c: {  	_ =	shalt  }
0x7d: {  	_ =	shalt  }
0x7e: {  	_ =	shalt  }
0x7f: {  	_ =	shalt  }
0x80: {  	_ =	shalt  }
0x81: {  	_ =	shalt  }
0x82: {  	_ =	shalt  }
0x83: {  	_ =	shalt  }
0x84: {  	_ =	shalt  }
0x85: {  	_ =	shalt  }
0x86: {  	_ =	shalt  }
0x87: {  	_ =	shalt  }
.Lfunc_end0:
.L_simem_size_0:
called_computation_lowered:
.L_overlay_start_0:
0x88: {  	s2 =	sld [smem:$0x3FD9]  }
0x89: {  	s3 =	sld [smem:$0x3FFE];
	_ =	sdelay $0x1  }
0x8a: {  	s1 =	srdreg.scid  }
0x8b: {  	s0 =	sand.u32 $0x1, s1  }
0x8c: {  	s16 =	sshll.u32 s0, $0xA;
	s2 =	sadd.s32 s3, s2  }
0x8d: {  	s2 =	sadd.s32 s2, s16  }
0x8e: {  	[smem:$0x3FC2] =	sst s2  }
0x8f: {  	_ = 	snop  }
0x90: {  	(tm) =	ssettm $0x1  }
0x91: {  	s17 =	sld [smem:$0x3FFB];
	_ =	sdelay $0x3  }
0x92: {  	_ =	strace s17  }
0x93: {  	s2 =	sld [smem:$0x3FFC];
	_ =	sdelay $0x3  }
0x94: {  	_ =	strace s2  }
0x95: {  	s2 =	sld [smem:$0x3FFD];
	_ =	sdelay $0x3  }
0x96: {  	_ =	strace s2  }
0x97: {  	_ =	strace $0x8FFFFFFF  }
0x98: {  	s18 =	sld [smem:$0x3FDB];
	_ =	sdelay $0x1  }
0x99: {  	s19 =	simm.s32 $_scs_section_size  }
0x9a: {  	s4 =	simm.s32 $_size__tile_overlayer_lowered;
	s5 =	simm.s32 $_tile_overlayer_lowered  }
0x9b: {  	s22 =	simm.s32 $0x1BFF;
	s21 =	sshll.u32 s5, $0x1;
	s2 =	sadd.s32 s19, s18  }
0x9c: {  	s6 =	simm.s32 $0x0;
	s20 =	sshll.u32 s4, $0x1;
	s4 =	sadd.s32 s21, s2  }
0x9d: {  	[timem:s6], [sflag:s22] =	dma.local [hbm:s4], s20  }
0x9e: {  	_ =	swait.ge [sflag:s22], s20  }
0x9f: {  	s3 =	ssub.s32 $0x0, s20;
	[sflag:s22] =	ssyncset.done $0x0  }
0xa0: {  	[sflag:s22] =	ssyncadd.s32 s3;
	_ =	sdelay $0x1  }
0xa1: {  	s23 =	simm.s32 $0x1B8B  }
0xa2: {  	_ =	swait.ge [sflag:s23], $0x1  }
0xa3: {  	[sflag:s23] =	ssyncset.done $0x0  }
0xa4: {  	s25 =	simm.s32 $0x1B8E;
	s24 =	sld [smem:$0x3FFE];
	[sflag:s23] =	ssyncadd.s32 $0xFFFFFFFF  }
0xa5: {  	s26 =	simm.s32 $execute0_lowered;
	[smem:$0x3FD2] =	sst s25  }
0xa6: {  	s4 =	sshll.u32 s26, $0x1;
	_ =	strace $0x80000046;
	[dreg:$0x1] =	wrdreg $0xFFFFFFFF  }
0xa7: {  	s28 =	simm.s32 $_size_execute0_lowered;
	s2 =	sadd.s32 s2, s4;
	[dreg:$0x0] =	wrdreg $0x0  }
0xa8: {  	s4 =	sshll.u32 s28, $0x1;
	[dreg:$0x2] =	wrdreg s2  }
0xa9: {  	[dreg:$0x3] =	wrdreg s4  }
0xaa: {  	[dreg:$0x4] =	wrdreg $0xC0  }
0xab: {  	_ =	task [dreg:s6], $0x5FFFF  }
0xac: {  	[dreg:$0x1] =	wrdreg $0xFFFFFFFF  }
0xad: {  	[dreg:$0x0] =	wrdreg $0x60  }
0xae: {  	[dreg:$0x2] =	wrdreg s24  }
0xaf: {  	[dreg:$0x3] =	wrdreg $0x23B00  }
0xb0: {  	[dreg:$0x4] =	wrdreg $0x9  }
0xb1: {  	_ =	task.clear_ibuf [dreg:s6], $0x5FFFF;
	_ =	strace $0x90000046  }
0xb2: {  	s29 =	simm.s32 $0x9;
	_ =	strace $0x80000048  }
0xb3: {  	_ =	swait.ge [sflag:s29], $0x1  }
0xb4: {  	[sflag:s29] =	ssyncadd.s32 $0xFFFFFFFF  }
0xb5: {  	_ =	strace $0x90000048  }
0xb6: {  	_ =	sfence  }
0xb7: {  	s30 =	sld [smem:$0x0];
	_ =	sdelay $0x2  }
0xb8: {  	s31 =	sshll.u32 s1, $0xD;
	s1 =	sshrl.u32 s1, $0x2  }
0xb9: {  	s3 =	sand.u32 $0x4000, s31;
	s1 =	sadd.s32 s1, s30  }
0xba: {  	s0 =	sor.u32 s3, s0;
	s1 =	sshll.u32 s1, $0x11  }
0xbb: {  	s0 =	sor.u32 s1, s0  }
0xbc: {  	s0 =	sadd.s32 $0x8F2B, s0  }
0xbd: {  	[sflag:s0] =	ssyncadd.remote.s32 $0x1  }
0xbe: {  	_ =	sfence.sel $0xFFFF  }
0xbf: {  	[dreg:$0x0] =	wrdreg $0xFFFFFFFF;
	(pc) =	sbr.abs _section_cstart, $3  }
0xc0: {  	[dreg:$0x1] =	wrdreg $0xFFFFFFFF  }
0xc1: {  	_ =	task.clear_ibuf [dreg:s6], $0x2FFFF;
	_ =	strace $0x9FFFFFFF  }
0xc2: {  	(tm) =	ssettm $0x7FFFFFFF  }
0xc3: {  	_ =	shalt  }
tec
execute0_lowered:
.L_overlay_start_1:
0x0: {  	(tag) =	ssettag $0x1  }
0x1: {  	s4 =	rddreg [dreg:$0x0]  }
0x2: {  	s2 =	rddreg [dreg:$0x1]  }
0x3: {  	s1 =	srdreg.scid;
	s0 =	rddreg [dreg:$0x2]  }
0x4: {  	s3 =	simm.s32 $0x0;
	s14 =	simm.s32 $0xFA0;
	s5 =	sand.u32 $0x1, s1  }
0x5: {  	s17 =	simm.s32 $0x0;
	s1 =	stileid.u32;
	s6 =	smul.u32 $0x18800, s5  }
0x6: {  	[smem:$0x7FF] =	sst s3;
	s10 =	sadd.s32 $0x3000, s4;
	s7 =	smul.u32 $0x1880, s1  }
0x7: {  	s8 =	sshll.u32 s1, $0x1;
	s9 =	smul.u32 $0x6200, s1;
	_ =	strace $0x80000047  }
0x8: {  	s11 =	ssub.s32 $0x2, s5;
	s12 =	smul.u32 $0x186A0, s1;
	s15 =	sshll.u32 s1, $0x6  }
0x9: {  	s8 =	sor.u32 s5, s8;
	s13 =	sshrl.u32 s11, $0x1;
	s5 =	smul.u32 $0xC350, s5  }
0xa: {  	s15 =	sor.u32 $0x1C02, s15;
	s8 =	smul.u32 $0xC350, s8;
	s6 =	sadd.s32 s7, s6  }
0xb: {  	s11 =	ssub.s32 s11, s13;
	s28 =	sshrl.u32 s9, $0x2;
	s16 =	sadd.s32 s7, s2  }
0xc: {  	s13 =	simm.s32 $0x7D0;
	s6 =	sshrl.u32 s6, $0x3;
	s12 =	sadd.s32 s5, s12  }
0xd: {  	s7 =	smax.u32 s11, $0x1;
	s11 =	simm.s32 $0x2;
	s16 =	sshrl.u32 s16, $0x3  }
0xe: {  	s6 =	sadd.s32 s6, s4;
	s26 =	sshrl.u32 s8, $0x3;
	s4 =	sadd.s32 s28, s2  }
0xf: {  	s30 =	sadd.s32 $0x1871D0, s12;
	s12 =	simm.s32 $0x1;
	s29 =	sadd.s32 s10, s26  }
0x10: {  	s6 =	sadd.s32 $0x64C00, s6;
	s31 =	sshrl.u32 s30, $0x3;
	s8 =	sadd.s32 $0xC40, s4  }
0x11: {  	v0 =	vimm.f32 $1.000000000e+00;
	v1 =	vimm.f32 $0.0e+00;
	s5 =	sadd.s32 $0x30D40, s29;
	s9 =	sadd.s32 s31, s10;
	s10 =	simm.s32 $0x1770  }
.LBB2_1:
0x12: {  	s18 =	simm.s32 $0x0  }
.LBB2_2:
0x13: {  	p0 =	sne.s32 s18, $0x1F00  }
.Ltmp0:
0x14: {  	_ = 	snop;
	(pc) =	sbr.rel @p0 .LBB2_2-.Ltmp0, $3  }
0x15: {  	_ =	sdelay $0x1  }
0x16: {  	s19 =	sshra.s32 s18, $0x2  }
0x17: {  	s18 =	sadd.s32 $0x40, s18;
	[tilespmem:s19+$0xFA0] =	vst v0  }
0x18: {  	s18 =	simm.s32 $0x40;
	s19 =	simm.s32 $0x0  }
.LBB2_4:
0x19: {  	p0 =	sne.s32 s18, $0x30C0;
	[tilespmem:s19+$0x1770] =	vst v1;
	s19 =	smov.u32 s18;
	s18 =	sadd.s32 $0x40, s18  }
.Ltmp1:
0x1a: {  	(pc) =	sbr.rel @p0 .LBB2_4-.Ltmp1, $2  }
0x1b: {  	_ =	sdelay $0x2  }
0x1c: {  	s19 =	sshra.s32 s19, $0x2  }
0x1d: {  	[tilespmem:s19+$0x1770] =	vst v1  }
0x1e: {  	[spmem:s4] =	stream.linear.scatter [tilespmem:s10], [sflag:$0x2], $0xC40, $0x38;
	[tilespmem:$0x3C30] =	vst v63  }
0x1f: {  	_ =	swait.ge [sflag:s11], $0xC40  }
0x20: {  	[sflag:s11] =	ssyncset.done $0x0  }
0x21: {  	[sflag:s11] =	ssyncadd.s32 $0xFFFFF3C0  }
0x22: {  	[spmem:s8] =	stream.linear.scatter [tilespmem:s10], [sflag:$0x2], $0xC40, $0x38;
	[tilespmem:$0x3C30] =	vst v63  }
0x23: {  	_ =	swait.ge [sflag:s11], $0xC40  }
0x24: {  	[sflag:s11] =	ssyncset.done $0x0  }
0x25: {  	[sflag:s11] =	ssyncadd.s32 $0xFFFFF3C0  }
0x26: {  	s18 =	simm.s32 $0x0;
	[bflag:$0x0] =	sbarrier.arrive $0xFFFF  }
0x27: {  	[tilespmem:s18], [sflag:$0x1] =	stream.linear.gather [hbm4b:s5+s18], $0x7D0, $0x38;
	[tilespmem:$0x3C30] =	vst v63  }
0x28: {  	s18 =	sand.u32 $0x1, s18  }
0x29: {  	s31 =	sxor.u32 $0x1, s18  }
0x2a: {  	_ =	swait.ge [sflag:s12], $0x7D0;
	s19 =	smul.u32 $0x1F40, s31  }
0x2b: {  	[sflag:s12] =	ssyncset.done $0x0  }
0x2c: {  	s18 =	smul.u32 $0x1F40, s18;
	[sflag:s12] =	ssyncadd.s32 $0xFFFFF830;
	s19 =	sshrl.u32 s19, $0x2  }
0x2d: {  	[tilespmem:s19], [sflag:$0x1] =	stream.linear.gather [hbm4b:s9+s3], $0x7D0, $0x38;
	[tilespmem:$0x3C30] =	vst v63  }
0x2e: {  	s18 =	sshrl.u32 s18, $0x2  }
0x2f: {  	[spmem:s2] =	stream.indirect.scatter.add.f32 [tilespmem:s14], [sflag:$0x2], $0x1, s18, s13, $0xb8;
	[tilespmem:$0x3C30] =	vst v63  }
0x30: {  	s20 =	simm.s32 $0x2;
	_ =	swait.ge [sflag:s11], $0x7D0  }
0x31: {  	s19 =	simm.s32 $0x1;
	s18 =	sadd.s32 $0xFA, s9;
	[sflag:s11] =	ssyncset.done $0x0  }
.LBB2_6:
0x32: {  	s21 =	sand.u32 $0x1, s19  }
0x33: {  	[sflag:s11] =	ssyncadd.s32 $0xFFFFF830;
	s19 =	smov.u32 s20;
	s22 =	sadd.s32 $0x1, s20  }
0x34: {  	p0 =	sne.s32 s20, $0x17;
	s20 =	smul.u32 $0x1F40, s21;
	s21 =	sxor.u32 $0x1, s21  }
0x35: {  	_ =	swait.ge [sflag:s12], $0x7D0;
	s21 =	smul.u32 $0x1F40, s21  }
0x36: {  	[sflag:s12] =	ssyncset.done $0x0  }
0x37: {  	[sflag:s12] =	ssyncadd.s32 $0xFFFFF830;
	s21 =	sshrl.u32 s21, $0x2  }
0x38: {  	[tilespmem:s21], [sflag:$0x1] =	stream.linear.gather [hbm4b:s18+s3], $0x7D0, $0x38;
	[tilespmem:$0x3C30] =	vst v63  }
.Ltmp2:
0x39: {  	_ = 	snop;
	(pc) =	sbr.rel @p0 .LBB2_6-.Ltmp2, $4  }
0x3a: {  	s20 =	sshrl.u32 s20, $0x2  }
0x3b: {  	[spmem:s2] =	stream.indirect.scatter.add.f32 [tilespmem:s14], [sflag:$0x2], $0x1, s20, s13, $0xb8;
	[tilespmem:$0x3C30] =	vst v63  }
0x3c: {  	_ =	swait.ge [sflag:s11], $0x7D0  }
0x3d: {  	s18 =	sadd.s32 $0xFA, s18;
	s20 =	smov.u32 s22;
	[sflag:s11] =	ssyncset.done $0x0  }
0x3e: {  	s19 =	sand.u32 $0x1, s19  }
0x3f: {  	[sflag:s11] =	ssyncadd.s32 $0xFFFFF830;
	s20 =	sxor.u32 $0x1, s19  }
0x40: {  	_ =	swait.ge [sflag:s12], $0x7D0;
	s20 =	smul.u32 $0x1F40, s20  }
0x41: {  	[sflag:s12] =	ssyncset.done $0x0  }
0x42: {  	s19 =	smul.u32 $0x1F40, s19;
	[sflag:s12] =	ssyncadd.s32 $0xFFFFF830;
	s20 =	sshrl.u32 s20, $0x2  }
0x43: {  	[tilespmem:s20], [sflag:$0x1] =	stream.linear.gather [hbm4b:s18+s3], $0x7D0, $0x38;
	[tilespmem:$0x3C30] =	vst v63  }
0x44: {  	s31 =	sshrl.u32 s19, $0x2  }
0x45: {  	[spmem:s2] =	stream.indirect.scatter.add.f32 [tilespmem:s14], [sflag:$0x2], $0x1, s31, s13, $0xb8;
	[tilespmem:$0x3C30] =	vst v63  }
0x46: {  	_ =	swait.ge [sflag:s11], $0x7D0  }
0x47: {  	[sflag:s11] =	ssyncset.done $0x0  }
0x48: {  	[sflag:s11] =	ssyncadd.s32 $0xFFFFF830  }
0x49: {  	_ =	swait.ge [sflag:s12], $0x7D0  }
0x4a: {  	[sflag:s12] =	ssyncset.done $0x0  }
0x4b: {  	[sflag:s12] =	ssyncadd.s32 $0xFFFFF830  }
0x4c: {  	[spmem:s2] =	stream.indirect.scatter.add.f32 [tilespmem:s14], [sflag:$0x2], $0x1, s3, s13, $0xb8;
	[tilespmem:$0x3C30] =	vst v63  }
0x4d: {  	_ =	swait.ge [sflag:s11], $0x7D0  }
0x4e: {  	s17 =	sadd.s32 $0x1, s17;
	[sflag:s11] =	ssyncset.done $0x0  }
0x4f: {  	p0 =	sne.s32 s17, s7;
	[sflag:s11] =	ssyncadd.s32 $0xFFFFF830  }
.Ltmp3:
0x50: {  	[bflag:$0x0] =	sbarrier.arrive $0xFFFF;
	(pc) =	sbr.rel @p0 .LBB2_1-.Ltmp3, $4  }
0x51: {  	[hbm:s6], [sflag:s15] =	dma.local [spmem:s16], $0x310  }
0x52: {  	_ =	swait.ge [sflag:s11], $0x310  }
0x53: {  	[sflag:s11] =	ssyncset.done $0x0  }
0x54: {  	[sflag:s11] =	ssyncadd.s32 $0xFFFFFCF0  }
0x55: {  	_ =	sfence.sel $0x180000  }
0x56: {  	[bflag:$0x0] =	sbarrier.arrive $0xFFFF  }
0x57: {  	p0 =	sne.s32 s1, $0x0;
	_ =	strace $0x90000047  }
0x58: {  	s0 =	sadd.s32 @!p0 $0x100000, s0;
	[bflag:$0x2] =	sbarrier.arrive $0xFFFF  }
0x59: {  	[sflag:s0] =	ssyncadd.tile.s32 @!p0 $0x1;
	_ =	shalt  }
.Lfunc_end2:
_tile_overlayer_lowered:
.L_overlay_start_2:
0x5a: {  	(tag) =	ssettag $0x2  }
0x5b: {  	s0 =	rddreg [dreg:$0x0];
	s2 =	stileid.u32  }
0x5c: {  	s1 =	rddreg [dreg:$0x1];
	p0 =	sne.s32 s2, $0x0  }
0x5d: {  	s3 =	rddreg [dreg:$0x2];
	[bflag:$0x3] =	sbarrier.arrive $0xFFFF;
	s2 =	simm.s32 @!p0 $0x1C02  }
0x5e: {  	[timem:s3], [sflag:s2] =	dma.local @!p0 [hbm:s0], s1  }
0x5f: {  	s0 =	simm.s32 @!p0 $0x2  }
0x60: {  	_ =	swait.ge @!p0 [sflag:s0], s1  }
0x61: {  	s1 =	ssub.s32 @!p0 $0x0, s1;
	[sflag:s0] =	ssyncset.done @!p0 $0x0  }
0x62: {  	[sflag:s0] =	ssyncadd.s32 @!p0 s1  }
0x63: {  	[bflag:$0x3] =	sbarrier.arrive $0xFFFF  }
0x64: {  	_ =	shalt  }

</sc_bundles>
